<compile_context>
chip_gen: v7x
topology: tpu7x:2x2x1
jax: 0.10.2.dev20260603
libtpu: 0.0.44.dev20260713+nightly
codegen_flags: <defaults>
</compile_context>

<pallas_src>
import functools

import jax
import jax.numpy as jnp
from jax import lax
from jax.experimental import pallas as pl
from jax.experimental.pallas import tpu as pltpu
from jax.experimental.pallas import tpu_sc as plsc

N_NODES = 50000
N_EDGES = 1600000
NUM_GRAPHS = 512
LANES = 16

NUM_CORES = 2
NUM_SUBCORES = 16
NW = NUM_CORES * NUM_SUBCORES

BLK = 128
TOTAL_BLOCKS = N_EDGES // BLK
BASE_BLOCKS = TOTAL_BLOCKS // NW
EXTRA = TOTAL_BLOCKS - BASE_BLOCKS * NW

CB = 39
CHUNK = CB * BLK
NFULL = BASE_BLOCKS // CB
NPAIR = NFULL // 2
UNROLL = 4


@functools.cache
def _build_occlusion_sc():
    mesh = plsc.VectorSubcoreMesh(
        core_axis_name="c", subcore_axis_name="s",
        num_cores=NUM_CORES, num_subcores=NUM_SUBCORES,
    )

    @functools.partial(
        pl.kernel,
        mesh=mesh,
        out_type=jax.ShapeDtypeStruct((NW, LANES), jnp.float32),
        compiler_params=pltpu.CompilerParams(needs_layout_passes=False),
        scratch_types=[
            pltpu.VMEM((N_NODES,), jnp.int32),
            pltpu.VMEM((2, CHUNK), jnp.int32),
            pltpu.VMEM((2, CHUNK), jnp.int32),
            pltpu.VMEM((LANES,), jnp.float32),
            pltpu.SemaphoreType.DMA,
            pltpu.SemaphoreType.DMA,
            pltpu.SemaphoreType.DMA,
        ],
    )
    def occlusion_sc(tab_hbm, edge_hbm, out_hbm,
                     tab_v, buf_a, buf_b, acc_v,
                     sem_t, sem_a, sem_b):
        wid = lax.axis_index("s") * NUM_CORES + lax.axis_index("c")
        start_blk = wid * BASE_BLOCKS + jnp.minimum(wid, EXTRA)
        has_extra = wid < EXTRA
        base = start_blk * BLK

        def edge_slice(c):
            return edge_hbm.at[:, pl.ds(base + c * CHUNK, CHUNK)]

        cp_t = pltpu.make_async_copy(tab_hbm, tab_v, sem_t)
        cp_t.start()
        pltpu.make_async_copy(edge_slice(0), buf_a, sem_a).start()
        cp_t.wait()

        hi_mask = jnp.int32(-65536)

        def edge_term(s, d):
            vs = plsc.load_gather(tab_v, [s])
            vd = plsc.load_gather(tab_v, [d])
            xs = plsc.bitcast(vs & hi_mask, jnp.float32)
            ys = plsc.bitcast(vs << 16, jnp.float32)
            xd = plsc.bitcast(vd & hi_mask, jnp.float32)
            yd = plsc.bitcast(vd << 16, jnp.float32)
            dx = xd - xs
            dy = yd - ys
            s2 = dx * dx + dy * dy
            bits = plsc.bitcast(s2, jnp.int32)
            seed = plsc.bitcast(
                jnp.int32(0x5F375A86) - (bits >> 1), jnp.float32)
            half = s2 * jnp.float32(0.5)
            y = seed * (jnp.float32(1.5) - half * seed * seed)
            dist = s2 * y
            return jnp.exp(-dist)

        def accumulate(buf, accs, n_edges):
            @plsc.parallel_loop(0, n_edges, UNROLL * LANES, unroll=2,
                                carry=accs)
            def body(o, accs):
                new = []
                for j in range(UNROLL):
                    s = buf[0, pl.ds(o + j * LANES, LANES)]
                    d = buf[1, pl.ds(o + j * LANES, LANES)]
                    new.append(accs[j] + edge_term(s, d))
                return tuple(new)

            return body

        def pair_body(p, accs):
            c0 = 2 * p
            pltpu.make_async_copy(edge_slice(c0 + 1), buf_b, sem_b).start()
            pltpu.make_async_copy(edge_slice(c0), buf_a, sem_a).wait()
            accs = accumulate(buf_a, accs, CHUNK)

            @pl.when(p + 1 < NPAIR)
            def _():
                pltpu.make_async_copy(edge_slice(c0 + 2), buf_a, sem_a).start()

            pltpu.make_async_copy(edge_slice(c0 + 1), buf_b, sem_b).wait()
            return accumulate(buf_b, accs, CHUNK)

        zeros = jnp.zeros((LANES,), jnp.float32)
        accs = lax.fori_loop(0, NPAIR, pair_body, (zeros,) * UNROLL)

        @pl.when(has_extra)
        def _():
            off = base + NFULL * CHUNK
            pltpu.sync_copy(edge_hbm.at[:, pl.ds(off, BLK)],
                            buf_a.at[:, pl.ds(0, BLK)])
            tail = accumulate(buf_a, accs, BLK)
            total = tail[0]
            for j in range(1, UNROLL):
                total = total + tail[j]
            acc_v[...] = total

        @pl.when(jnp.logical_not(has_extra))
        def _():
            total = accs[0]
            for j in range(1, UNROLL):
                total = total + accs[j]
            acc_v[...] = total

        pltpu.sync_copy(acc_v, out_hbm.at[wid])

    return occlusion_sc


def kernel(node_pos, full_edge_index, batch):
    del batch
    pos = node_pos.astype(jnp.float32)
    xu = lax.bitcast_convert_type(
        pos[:, 0].astype(jnp.bfloat16), jnp.uint16).astype(jnp.uint32)
    yu = lax.bitcast_convert_type(
        pos[:, 1].astype(jnp.bfloat16), jnp.uint16).astype(jnp.uint32)
    packed = lax.bitcast_convert_type((xu << 16) | yu, jnp.int32)
    edges = full_edge_index.astype(jnp.int32)
    partials = _build_occlusion_sc()(packed, edges)
    return jnp.sum(partials) / jnp.float32(NUM_GRAPHS)

# --- scband reference (transcript-rebuilt; emitter-appended) ---
"""Pipeline reference for scband-occlusion-67104569033433 (READ-ONLY COPY).

The authoritative reference and input builder live on the scoring server;
editing this copy changes nothing except your own understanding.
"""

import jax, jax.numpy as jnp
import numpy as np

N_NODES = 50000
N_EDGES = 1600000
NUM_GRAPHS = 512
GAMMA = 1.0

def setup_inputs(seed: int = 0) -> dict:
    key = jax.random.key(seed)
    k1, k2, k3 = jax.random.split(key, 3)
    node_pos = jax.random.normal(k1, (N_NODES, 2), dtype=jnp.float32)
    full_edge_index = jax.random.randint(k2, (2, N_EDGES), 0, N_NODES, dtype=jnp.int64)
    batch = jnp.sort(jax.random.randint(k3, (N_NODES,), 0, NUM_GRAPHS, dtype=jnp.int64))
    return {"node_pos": node_pos, "full_edge_index": full_edge_index, "batch": batch}

def reference(node_pos, full_edge_index, batch):
    # get_full_edges: gather endpoint positions for every (directed) full edge
    start = jnp.take(node_pos, full_edge_index[0], axis=0)
    end = jnp.take(node_pos, full_edge_index[1], axis=0)
    # per-edge Euclidean distance
    eu = jnp.linalg.norm(end - start, axis=1)
    # edge occlusion term exp(-gamma * dist)
    edge_occlusion = jnp.exp(eu * (-GAMMA))
    # map each edge to its graph id via the batch vector of its source node
    index = jnp.take(batch, full_edge_index[0], axis=0)
    # scatter-sum per graph (torch_scatter.scatter default reduce='sum')
    graph_occlusion = jax.ops.segment_sum(edge_occlusion, index, num_segments=NUM_GRAPHS)
    # self.reduce = torch.mean
    return jnp.mean(graph_occlusion)

if __name__ == "__main__":
    import jax
    _d = setup_inputs()
    print(jax.jit(kernel)(*tuple(_d.values())))

</pallas_src>

<mosaic_0001>
#map = affine_map<(d0, d1) -> (0)>
#map1 = affine_map<(d0, d1) -> (0, 0)>
module attributes {stable_mosaic.version = 14 : i64} {
  func.func @occlusion_sc(%arg0: i32, %arg1: i32, %arg2: memref<50000xi32, #tpu.memory_space<hbm>>, %arg3: memref<2x1600000xi32, #tpu.memory_space<hbm>>, %arg4: memref<32x16xf32, #tpu.memory_space<hbm>>, %arg5: memref<50000xi32, #tpu.memory_space<vmem>>, %arg6: memref<2x4992xi32, #tpu.memory_space<vmem>>, %arg7: memref<2x4992xi32, #tpu.memory_space<vmem>>, %arg8: memref<16xf32, #tpu.memory_space<vmem>>, %arg9: memref<!tpu.dma_semaphore, #tpu.memory_space<semaphore_mem>>, %arg10: memref<!tpu.dma_semaphore, #tpu.memory_space<semaphore_mem>>, %arg11: memref<!tpu.dma_semaphore, #tpu.memory_space<semaphore_mem>>) attributes {dimension_semantics = [#tpu.dimension_semantics<core_parallel>, #tpu.dimension_semantics<subcore_parallel>], iteration_bounds = array<i64: 2, 16>, scalar_prefetch = 0 : i64, scratch_operands = 7 : i64, tpu.core_type = #tpu.core_type<sc_vector_subcore>, window_params = [{transform_indices = #map}, {transform_indices = #map1}, {transform_indices = #map1}]} {
    %mul3A = arith.constant 2 : i32
    %mul3A_0 = arith.muli %arg1, %mul3A : i32
    %add3A = arith.addi %mul3A_0, %arg0 : i32
    %mul3A_1 = arith.constant 390 : i32
    %mul3A_2 = arith.muli %add3A, %mul3A_1 : i32
    %min3A = arith.constant 20 : i32
    %min3A_3 = arith.minsi %add3A, %min3A : i32
    %add3A_4 = arith.addi %mul3A_2, %min3A_3 : i32
    %lt3A = arith.constant 20 : i32
    %lt3A_5 = arith.cmpi slt, %add3A, %lt3A : i32
    %mul3A_6 = arith.constant 128 : i32
    %mul3A_7 = arith.muli %add3A_4, %mul3A_6 : i32
    tpu.enqueue_dma source(%arg2 : memref<50000xi32, #tpu.memory_space<hbm>>) target(%arg5 : memref<50000xi32, #tpu.memory_space<vmem>>) target_semaphore(%arg9 : memref<!tpu.dma_semaphore, #tpu.memory_space<semaphore_mem>>)
    %add3A_8 = arith.constant 0 : i32
    %add3A_9 = arith.addi %mul3A_7, %add3A_8 : i32
    %dma_start3A = arith.constant 0 : i32
    %dma_start3A_10 = tpu.memref_slice %arg3[%dma_start3A, %add3A_9] : memref<2x1600000xi32, #tpu.memory_space<hbm>> -> memref<2x4992xi32, #tpu.memory_space<hbm>>
    %dma_start3A_11 = arith.constant 0 : i32
    %dma_start3A_12 = tpu.memref_slice %arg3[%dma_start3A_11, %add3A_9] : memref<2x1600000xi32, #tpu.memory_space<hbm>> -> memref<2x4992xi32, #tpu.memory_space<hbm>>
    tpu.enqueue_dma source(%dma_start3A_12 : memref<2x4992xi32, #tpu.memory_space<hbm>>) target(%arg6 : memref<2x4992xi32, #tpu.memory_space<vmem>>) target_semaphore(%arg10 : memref<!tpu.dma_semaphore, #tpu.memory_space<semaphore_mem>>)
    tpu.wait_dma2 semaphore(%arg9 : memref<!tpu.dma_semaphore, #tpu.memory_space<semaphore_mem>>) src(%arg2 : memref<50000xi32, #tpu.memory_space<hbm>>) dst(%arg5 : memref<50000xi32, #tpu.memory_space<vmem>>)
    %broadcast_in_dim3A = arith.constant 0.000000e+00 : f32
    %broadcast_in_dim3A_13 = vector.broadcast %broadcast_in_dim3A : f32 to vector<16xf32>
    %scan3A = arith.constant -65536 : i32
    %scan3A_14 = arith.constant 0 : i32
    %scan3A_15 = arith.constant 5 : i32
    %scan3A_16 = arith.addi %scan3A_14, %scan3A_15 : i32
    %scan3A_17 = arith.constant 1 : i32
    %scan3A_18:4 = scf.for %scan3A_26 = %scan3A_14 to %scan3A_16 step %scan3A_17 iter_args(%scan3A_27 = %broadcast_in_dim3A_13, %scan3A_28 = %broadcast_in_dim3A_13, %scan3A_29 = %broadcast_in_dim3A_13, %scan3A_30 = %broadcast_in_dim3A_13) -> (vector<16xf32>, vector<16xf32>, vector<16xf32>, vector<16xf32>)  : i32 {
      %mul3A_31 = arith.constant 2 : i32
      %mul3A_32 = arith.muli %mul3A_31, %scan3A_26 : i32
      %add3A_33 = arith.constant 1 : i32
      %add3A_34 = arith.addi %mul3A_32, %add3A_33 : i32
      %mul3A_35 = arith.constant 4992 : i32
      %mul3A_36 = arith.muli %add3A_34, %mul3A_35 : i32
      %add3A_37 = arith.addi %mul3A_7, %mul3A_36 : i32
      %dma_start3A_38 = arith.constant 0 : i32
      %dma_start3A_39 = tpu.memref_slice %arg3[%dma_start3A_38, %add3A_37] : memref<2x1600000xi32, #tpu.memory_space<hbm>> -> memref<2x4992xi32, #tpu.memory_space<hbm>>
      %dma_start3A_40 = arith.constant 0 : i32
      %dma_start3A_41 = tpu.memref_slice %arg3[%dma_start3A_40, %add3A_37] : memref<2x1600000xi32, #tpu.memory_space<hbm>> -> memref<2x4992xi32, #tpu.memory_space<hbm>>
      tpu.enqueue_dma source(%dma_start3A_41 : memref<2x4992xi32, #tpu.memory_space<hbm>>) target(%arg7 : memref<2x4992xi32, #tpu.memory_space<vmem>>) target_semaphore(%arg11 : memref<!tpu.dma_semaphore, #tpu.memory_space<semaphore_mem>>)
      %mul3A_42 = arith.constant 4992 : i32
      %mul3A_43 = arith.muli %mul3A_32, %mul3A_42 : i32
      %add3A_44 = arith.addi %mul3A_7, %mul3A_43 : i32
      %dma_wait3A = arith.constant 0 : i32
      %dma_wait3A_45 = tpu.memref_slice %arg3[%dma_wait3A, %add3A_44] : memref<2x1600000xi32, #tpu.memory_space<hbm>> -> memref<2x4992xi32, #tpu.memory_space<hbm>>
      %dma_wait3A_46 = arith.constant 0 : i32
      %dma_wait3A_47 = tpu.memref_slice %arg3[%dma_wait3A_46, %add3A_44] : memref<2x1600000xi32, #tpu.memory_space<hbm>> -> memref<2x4992xi32, #tpu.memory_space<hbm>>
      tpu.wait_dma2 semaphore(%arg10 : memref<!tpu.dma_semaphore, #tpu.memory_space<semaphore_mem>>) src(%dma_wait3A_47 : memref<2x4992xi32, #tpu.memory_space<hbm>>) dst(%arg6 : memref<2x4992xi32, #tpu.memory_space<vmem>>)
      %parallel_loop3A = arith.constant 0 : i32
      %parallel_loop3A_48 = arith.constant 4992 : i32
      %parallel_loop3A_49 = arith.constant 64 : i32
      %parallel_loop3A_50:4 = scf.for %parallel_loop3A_71 = %parallel_loop3A to %parallel_loop3A_48 step %parallel_loop3A_49 iter_args(%parallel_loop3A_72 = %scan3A_27, %parallel_loop3A_73 = %scan3A_28, %parallel_loop3A_74 = %scan3A_29, %parallel_loop3A_75 = %scan3A_30) -> (vector<16xf32>, vector<16xf32>, vector<16xf32>, vector<16xf32>)  : i32 {
        %parallel_loop3A_76 = arith.constant 0 : i32
        %parallel_loop3A_77 = arith.addi %parallel_loop3A_71, %parallel_loop3A_76 : i32
        %parallel_loop3A_78 = arith.constant 0 : i32
        %parallel_loop3A_79 = arith.index_cast %parallel_loop3A_78 : i32 to index
        %parallel_loop3A_80 = arith.index_cast %parallel_loop3A_77 : i32 to index
        %parallel_loop3A_81 = tpu.vector_load %arg6[%parallel_loop3A_79, %parallel_loop3A_80] {strides = array<i32>} : memref<2x4992xi32, #tpu.memory_space<vmem>>, vector<16xi32>,
        %parallel_loop3A_82 = arith.constant 0 : i32
        %parallel_loop3A_83 = arith.addi %parallel_loop3A_71, %parallel_loop3A_82 : i32
        %parallel_loop3A_84 = arith.constant 1 : i32
        %parallel_loop3A_85 = arith.index_cast %parallel_loop3A_84 : i32 to index
        %parallel_loop3A_86 = arith.index_cast %parallel_loop3A_83 : i32 to index
        %parallel_loop3A_87 = tpu.vector_load %arg6[%parallel_loop3A_85, %parallel_loop3A_86] {strides = array<i32>} : memref<2x4992xi32, #tpu.memory_space<vmem>>, vector<16xi32>,
        %parallel_loop3A_88 = tpu.vector_load_idx %arg5[%parallel_loop3A_81] : memref<50000xi32, #tpu.memory_space<vmem>>[vector<16xi32>], vector<16xi32>,
        %parallel_loop3A_89 = tpu.vector_load_idx %arg5[%parallel_loop3A_87] : memref<50000xi32, #tpu.memory_space<vmem>>[vector<16xi32>], vector<16xi32>,
        %parallel_loop3A_90 = vector.broadcast %scan3A : i32 to vector<16xi32>
        %parallel_loop3A_91 = arith.andi %parallel_loop3A_88, %parallel_loop3A_90 : vector<16xi32>
        %parallel_loop3A_92 = vector.bitcast %parallel_loop3A_91 : vector<16xi32> to vector<16xf32>
        %parallel_loop3A_93 = arith.constant 16 : i32
        %parallel_loop3A_94 = vector.broadcast %parallel_loop3A_93 : i32 to vector<16xi32>
        %parallel_loop3A_95 = arith.shli %parallel_loop3A_88, %parallel_loop3A_94 : vector<16xi32>
        %parallel_loop3A_96 = vector.bitcast %parallel_loop3A_95 : vector<16xi32> to vector<16xf32>
        %parallel_loop3A_97 = vector.broadcast %scan3A : i32 to vector<16xi32>
        %parallel_loop3A_98 = arith.andi %parallel_loop3A_89, %parallel_loop3A_97 : vector<16xi32>
        %parallel_loop3A_99 = vector.bitcast %parallel_loop3A_98 : vector<16xi32> to vector<16xf32>
        %parallel_loop3A_100 = arith.constant 16 : i32
        %parallel_loop3A_101 = vector.broadcast %parallel_loop3A_100 : i32 to vector<16xi32>
        %parallel_loop3A_102 = arith.shli %parallel_loop3A_89, %parallel_loop3A_101 : vector<16xi32>
        %parallel_loop3A_103 = vector.bitcast %parallel_loop3A_102 : vector<16xi32> to vector<16xf32>
        %parallel_loop3A_104 = arith.subf %parallel_loop3A_99, %parallel_loop3A_92 : vector<16xf32>
        %parallel_loop3A_105 = arith.subf %parallel_loop3A_103, %parallel_loop3A_96 : vector<16xf32>
        %parallel_loop3A_106 = arith.mulf %parallel_loop3A_104, %parallel_loop3A_104 : vector<16xf32>
        %parallel_loop3A_107 = arith.mulf %parallel_loop3A_105, %parallel_loop3A_105 : vector<16xf32>
        %parallel_loop3A_108 = arith.addf %parallel_loop3A_106, %parallel_loop3A_107 : vector<16xf32>
        %parallel_loop3A_109 = vector.bitcast %parallel_loop3A_108 : vector<16xf32> to vector<16xi32>
        %parallel_loop3A_110 = arith.constant 1 : i32
        %parallel_loop3A_111 = vector.broadcast %parallel_loop3A_110 : i32 to vector<16xi32>
        %parallel_loop3A_112 = arith.shrsi %parallel_loop3A_109, %parallel_loop3A_111 : vector<16xi32>
        %parallel_loop3A_113 = arith.constant 1597463174 : i32
        %parallel_loop3A_114 = vector.broadcast %parallel_loop3A_113 : i32 to vector<16xi32>
        %parallel_loop3A_115 = arith.subi %parallel_loop3A_114, %parallel_loop3A_112 : vector<16xi32>
        %parallel_loop3A_116 = vector.bitcast %parallel_loop3A_115 : vector<16xi32> to vector<16xf32>
        %parallel_loop3A_117 = arith.constant 5.000000e-01 : f32
        %parallel_loop3A_118 = vector.broadcast %parallel_loop3A_117 : f32 to vector<16xf32>
        %parallel_loop3A_119 = arith.mulf %parallel_loop3A_108, %parallel_loop3A_118 : vector<16xf32>
        %parallel_loop3A_120 = arith.mulf %parallel_loop3A_119, %parallel_loop3A_116 : vector<16xf32>
        %parallel_loop3A_121 = arith.mulf %parallel_loop3A_120, %parallel_loop3A_116 : vector<16xf32>
        %parallel_loop3A_122 = arith.constant 1.500000e+00 : f32
        %parallel_loop3A_123 = vector.broadcast %parallel_loop3A_122 : f32 to vector<16xf32>
        %parallel_loop3A_124 = arith.subf %parallel_loop3A_123, %parallel_loop3A_121 : vector<16xf32>
        %parallel_loop3A_125 = arith.mulf %parallel_loop3A_116, %parallel_loop3A_124 : vector<16xf32>
        %parallel_loop3A_126 = arith.mulf %parallel_loop3A_108, %parallel_loop3A_125 : vector<16xf32>
        %parallel_loop3A_127 = arith.constant 0.000000e+00 : f32
        %parallel_loop3A_128 = vector.broadcast %parallel_loop3A_127 : f32 to vector<16xf32>
        %parallel_loop3A_129 = arith.subf %parallel_loop3A_128, %parallel_loop3A_126 : vector<16xf32>
        %parallel_loop3A_130 = math.exp %parallel_loop3A_129 : vector<16xf32>
        %parallel_loop3A_131 = arith.addf %parallel_loop3A_72, %parallel_loop3A_130 : vector<16xf32>
        %parallel_loop3A_132 = arith.constant 16 : i32
        %parallel_loop3A_133 = arith.addi %parallel_loop3A_71, %parallel_loop3A_132 : i32
        %parallel_loop3A_134 = arith.constant 0 : i32
        %parallel_loop3A_135 = arith.index_cast %parallel_loop3A_134 : i32 to index
        %parallel_loop3A_136 = arith.index_cast %parallel_loop3A_133 : i32 to index
        %parallel_loop3A_137 = tpu.vector_load %arg6[%parallel_loop3A_135, %parallel_loop3A_136] {strides = array<i32>} : memref<2x4992xi32, #tpu.memory_space<vmem>>, vector<16xi32>,
        %parallel_loop3A_138 = arith.constant 16 : i32
        %parallel_loop3A_139 = arith.addi %parallel_loop3A_71, %parallel_loop3A_138 : i32
        %parallel_loop3A_140 = arith.constant 1 : i32
        %parallel_loop3A_141 = arith.index_cast %parallel_loop3A_140 : i32 to index
        %parallel_loop3A_142 = arith.index_cast %parallel_loop3A_139 : i32 to index
        %parallel_loop3A_143 = tpu.vector_load %arg6[%parallel_loop3A_141, %parallel_loop3A_142] {strides = array<i32>} : memref<2x4992xi32, #tpu.memory_space<vmem>>, vector<16xi32>,
        %parallel_loop3A_144 = tpu.vector_load_idx %arg5[%parallel_loop3A_137] : memref<50000xi32, #tpu.memory_space<vmem>>[vector<16xi32>], vector<16xi32>,
        %parallel_loop3A_145 = tpu.vector_load_idx %arg5[%parallel_loop3A_143] : memref<50000xi32, #tpu.memory_space<vmem>>[vector<16xi32>], vector<16xi32>,
        %parallel_loop3A_146 = vector.broadcast %scan3A : i32 to vector<16xi32>
        %parallel_loop3A_147 = arith.andi %parallel_loop3A_144, %parallel_loop3A_146 : vector<16xi32>
        %parallel_loop3A_148 = vector.bitcast %parallel_loop3A_147 : vector<16xi32> to vector<16xf32>
        %parallel_loop3A_149 = arith.constant 16 : i32
        %parallel_loop3A_150 = vector.broadcast %parallel_loop3A_149 : i32 to vector<16xi32>
        %parallel_loop3A_151 = arith.shli %parallel_loop3A_144, %parallel_loop3A_150 : vector<16xi32>
        %parallel_loop3A_152 = vector.bitcast %parallel_loop3A_151 : vector<16xi32> to vector<16xf32>
        %parallel_loop3A_153 = vector.broadcast %scan3A : i32 to vector<16xi32>
        %parallel_loop3A_154 = arith.andi %parallel_loop3A_145, %parallel_loop3A_153 : vector<16xi32>
        %parallel_loop3A_155 = vector.bitcast %parallel_loop3A_154 : vector<16xi32> to vector<16xf32>
        %parallel_loop3A_156 = arith.constant 16 : i32
        %parallel_loop3A_157 = vector.broadcast %parallel_loop3A_156 : i32 to vector<16xi32>
        %parallel_loop3A_158 = arith.shli %parallel_loop3A_145, %parallel_loop3A_157 : vector<16xi32>
        %parallel_loop3A_159 = vector.bitcast %parallel_loop3A_158 : vector<16xi32> to vector<16xf32>
        %parallel_loop3A_160 = arith.subf %parallel_loop3A_155, %parallel_loop3A_148 : vector<16xf32>
        %parallel_loop3A_161 = arith.subf %parallel_loop3A_159, %parallel_loop3A_152 : vector<16xf32>
        %parallel_loop3A_162 = arith.mulf %parallel_loop3A_160, %parallel_loop3A_160 : vector<16xf32>
        %parallel_loop3A_163 = arith.mulf %parallel_loop3A_161, %parallel_loop3A_161 : vector<16xf32>
        %parallel_loop3A_164 = arith.addf %parallel_loop3A_162, %parallel_loop3A_163 : vector<16xf32>
        %parallel_loop3A_165 = vector.bitcast %parallel_loop3A_164 : vector<16xf32> to vector<16xi32>
        %parallel_loop3A_166 = arith.constant 1 : i32
        %parallel_loop3A_167 = vector.broadcast %parallel_loop3A_166 : i32 to vector<16xi32>
        %parallel_loop3A_168 = arith.shrsi %parallel_loop3A_165, %parallel_loop3A_167 : vector<16xi32>
        %parallel_loop3A_169 = arith.constant 1597463174 : i32
        %parallel_loop3A_170 = vector.broadcast %parallel_loop3A_169 : i32 to vector<16xi32>
        %parallel_loop3A_171 = arith.subi %parallel_loop3A_170, %parallel_loop3A_168 : vector<16xi32>
        %parallel_loop3A_172 = vector.bitcast %parallel_loop3A_171 : vector<16xi32> to vector<16xf32>
        %parallel_loop3A_173 = arith.constant 5.000000e-01 : f32
        %parallel_loop3A_174 = vector.broadcast %parallel_loop3A_173 : f32 to vector<16xf32>
        %parallel_loop3A_175 = arith.mulf %parallel_loop3A_164, %parallel_loop3A_174 : vector<16xf32>
        %parallel_loop3A_176 = arith.mulf %parallel_loop3A_175, %parallel_loop3A_172 : vector<16xf32>
        %parallel_loop3A_177 = arith.mulf %parallel_loop3A_176, %parallel_loop3A_172 : vector<16xf32>
        %parallel_loop3A_178 = arith.constant 1.500000e+00 : f32
        %parallel_loop3A_179 = vector.broadcast %parallel_loop3A_178 : f32 to vector<16xf32>
        %parallel_loop3A_180 = arith.subf %parallel_loop3A_179, %parallel_loop3A_177 : vector<16xf32>
        %parallel_loop3A_181 = arith.mulf %parallel_loop3A_172, %parallel_loop3A_180 : vector<16xf32>
        %parallel_loop3A_182 = arith.mulf %parallel_loop3A_164, %parallel_loop3A_181 : vector<16xf32>
        %parallel_loop3A_183 = arith.constant 0.000000e+00 : f32
        %parallel_loop3A_184 = vector.broadcast %parallel_loop3A_183 : f32 to vector<16xf32>
        %parallel_loop3A_185 = arith.subf %parallel_loop3A_184, %parallel_loop3A_182 : vector<16xf32>
        %parallel_loop3A_186 = math.exp %parallel_loop3A_185 : vector<16xf32>
        %parallel_loop3A_187 = arith.addf %parallel_loop3A_73, %parallel_loop3A_186 : vector<16xf32>
        %parallel_loop3A_188 = arith.constant 32 : i32
        %parallel_loop3A_189 = arith.addi %parallel_loop3A_71, %parallel_loop3A_188 : i32
        %parallel_loop3A_190 = arith.constant 0 : i32
        %parallel_loop3A_191 = arith.index_cast %parallel_loop3A_190 : i32 to index
        %parallel_loop3A_192 = arith.index_cast %parallel_loop3A_189 : i32 to index
        %parallel_loop3A_193 = tpu.vector_load %arg6[%parallel_loop3A_191, %parallel_loop3A_192] {strides = array<i32>} : memref<2x4992xi32, #tpu.memory_space<vmem>>, vector<16xi32>,
        %parallel_loop3A_194 = arith.constant 32 : i32
        %parallel_loop3A_195 = arith.addi %parallel_loop3A_71, %parallel_loop3A_194 : i32
        %parallel_loop3A_196 = arith.constant 1 : i32
        %parallel_loop3A_197 = arith.index_cast %parallel_loop3A_196 : i32 to index
        %parallel_loop3A_198 = arith.index_cast %parallel_loop3A_195 : i32 to index
        %parallel_loop3A_199 = tpu.vector_load %arg6[%parallel_loop3A_197, %parallel_loop3A_198] {strides = array<i32>} : memref<2x4992xi32, #tpu.memory_space<vmem>>, vector<16xi32>,
        %parallel_loop3A_200 = tpu.vector_load_idx %arg5[%parallel_loop3A_193] : memref<50000xi32, #tpu.memory_space<vmem>>[vector<16xi32>], vector<16xi32>,
        %parallel_loop3A_201 = tpu.vector_load_idx %arg5[%parallel_loop3A_199] : memref<50000xi32, #tpu.memory_space<vmem>>[vector<16xi32>], vector<16xi32>,
        %parallel_loop3A_202 = vector.broadcast %scan3A : i32 to vector<16xi32>
        %parallel_loop3A_203 = arith.andi %parallel_loop3A_200, %parallel_loop3A_202 : vector<16xi32>
        %parallel_loop3A_204 = vector.bitcast %parallel_loop3A_203 : vector<16xi32> to vector<16xf32>
        %parallel_loop3A_205 = arith.constant 16 : i32
        %parallel_loop3A_206 = vector.broadcast %parallel_loop3A_205 : i32 to vector<16xi32>
        %parallel_loop3A_207 = arith.shli %parallel_loop3A_200, %parallel_loop3A_206 : vector<16xi32>
        %parallel_loop3A_208 = vector.bitcast %parallel_loop3A_207 : vector<16xi32> to vector<16xf32>
        %parallel_loop3A_209 = vector.broadcast %scan3A : i32 to vector<16xi32>
        %parallel_loop3A_210 = arith.andi %parallel_loop3A_201, %parallel_loop3A_209 : vector<16xi32>
        %parallel_loop3A_211 = vector.bitcast %parallel_loop3A_210 : vector<16xi32> to vector<16xf32>
        %parallel_loop3A_212 = arith.constant 16 : i32
        %parallel_loop3A_213 = vector.broadcast %parallel_loop3A_212 : i32 to vector<16xi32>
        %parallel_loop3A_214 = arith.shli %parallel_loop3A_201, %parallel_loop3A_213 : vector<16xi32>
        %parallel_loop3A_215 = vector.bitcast %parallel_loop3A_214 : vector<16xi32> to vector<16xf32>
        %parallel_loop3A_216 = arith.subf %parallel_loop3A_211, %parallel_loop3A_204 : vector<16xf32>
        %parallel_loop3A_217 = arith.subf %parallel_loop3A_215, %parallel_loop3A_208 : vector<16xf32>
        %parallel_loop3A_218 = arith.mulf %parallel_loop3A_216, %parallel_loop3A_216 : vector<16xf32>
        %parallel_loop3A_219 = arith.mulf %parallel_loop3A_217, %parallel_loop3A_217 : vector<16xf32>
        %parallel_loop3A_220 = arith.addf %parallel_loop3A_218, %parallel_loop3A_219 : vector<16xf32>
        %parallel_loop3A_221 = vector.bitcast %parallel_loop3A_220 : vector<16xf32> to vector<16xi32>
        %parallel_loop3A_222 = arith.constant 1 : i32
        %parallel_loop3A_223 = vector.broadcast %parallel_loop3A_222 : i32 to vector<16xi32>
        %parallel_loop3A_224 = arith.shrsi %parallel_loop3A_221, %parallel_loop3A_223 : vector<16xi32>
        %parallel_loop3A_225 = arith.constant 1597463174 : i32
        %parallel_loop3A_226 = vector.broadcast %parallel_loop3A_225 : i32 to vector<16xi32>
        %parallel_loop3A_227 = arith.subi %parallel_loop3A_226, %parallel_loop3A_224 : vector<16xi32>
        %parallel_loop3A_228 = vector.bitcast %parallel_loop3A_227 : vector<16xi32> to vector<16xf32>
        %parallel_loop3A_229 = arith.constant 5.000000e-01 : f32
        %parallel_loop3A_230 = vector.broadcast %parallel_loop3A_229 : f32 to vector<16xf32>
        %parallel_loop3A_231 = arith.mulf %parallel_loop3A_220, %parallel_loop3A_230 : vector<16xf32>
        %parallel_loop3A_232 = arith.mulf %parallel_loop3A_231, %parallel_loop3A_228 : vector<16xf32>
        %parallel_loop3A_233 = arith.mulf %parallel_loop3A_232, %parallel_loop3A_228 : vector<16xf32>
        %parallel_loop3A_234 = arith.constant 1.500000e+00 : f32
        %parallel_loop3A_235 = vector.broadcast %parallel_loop3A_234 : f32 to vector<16xf32>
        %parallel_loop3A_236 = arith.subf %parallel_loop3A_235, %parallel_loop3A_233 : vector<16xf32>
        %parallel_loop3A_237 = arith.mulf %parallel_loop3A_228, %parallel_loop3A_236 : vector<16xf32>
        %parallel_loop3A_238 = arith.mulf %parallel_loop3A_220, %parallel_loop3A_237 : vector<16xf32>
        %parallel_loop3A_239 = arith.constant 0.000000e+00 : f32
        %parallel_loop3A_240 = vector.broadcast %parallel_loop3A_239 : f32 to vector<16xf32>
        %parallel_loop3A_241 = arith.subf %parallel_loop3A_240, %parallel_loop3A_238 : vector<16xf32>
        %parallel_loop3A_242 = math.exp %parallel_loop3A_241 : vector<16xf32>
        %parallel_loop3A_243 = arith.addf %parallel_loop3A_74, %parallel_loop3A_242 : vector<16xf32>
        %parallel_loop3A_244 = arith.constant 48 : i32
        %parallel_loop3A_245 = arith.addi %parallel_loop3A_71, %parallel_loop3A_244 : i32
        %parallel_loop3A_246 = arith.constant 0 : i32
        %parallel_loop3A_247 = arith.index_cast %parallel_loop3A_246 : i32 to index
        %parallel_loop3A_248 = arith.index_cast %parallel_loop3A_245 : i32 to index
        %parallel_loop3A_249 = tpu.vector_load %arg6[%parallel_loop3A_247, %parallel_loop3A_248] {strides = array<i32>} : memref<2x4992xi32, #tpu.memory_space<vmem>>, vector<16xi32>,
        %parallel_loop3A_250 = arith.constant 48 : i32
        %parallel_loop3A_251 = arith.addi %parallel_loop3A_71, %parallel_loop3A_250 : i32
        %parallel_loop3A_252 = arith.constant 1 : i32
        %parallel_loop3A_253 = arith.index_cast %parallel_loop3A_252 : i32 to index
        %parallel_loop3A_254 = arith.index_cast %parallel_loop3A_251 : i32 to index
        %parallel_loop3A_255 = tpu.vector_load %arg6[%parallel_loop3A_253, %parallel_loop3A_254] {strides = array<i32>} : memref<2x4992xi32, #tpu.memory_space<vmem>>, vector<16xi32>,
        %parallel_loop3A_256 = tpu.vector_load_idx %arg5[%parallel_loop3A_249] : memref<50000xi32, #tpu.memory_space<vmem>>[vector<16xi32>], vector<16xi32>,
        %parallel_loop3A_257 = tpu.vector_load_idx %arg5[%parallel_loop3A_255] : memref<50000xi32, #tpu.memory_space<vmem>>[vector<16xi32>], vector<16xi32>,
        %parallel_loop3A_258 = vector.broadcast %scan3A : i32 to vector<16xi32>
        %parallel_loop3A_259 = arith.andi %parallel_loop3A_256, %parallel_loop3A_258 : vector<16xi32>
        %parallel_loop3A_260 = vector.bitcast %parallel_loop3A_259 : vector<16xi32> to vector<16xf32>
        %parallel_loop3A_261 = arith.constant 16 : i32
        %parallel_loop3A_262 = vector.broadcast %parallel_loop3A_261 : i32 to vector<16xi32>
        %parallel_loop3A_263 = arith.shli %parallel_loop3A_256, %parallel_loop3A_262 : vector<16xi32>
        %parallel_loop3A_264 = vector.bitcast %parallel_loop3A_263 : vector<16xi32> to vector<16xf32>
        %parallel_loop3A_265 = vector.broadcast %scan3A : i32 to vector<16xi32>
        %parallel_loop3A_266 = arith.andi %parallel_loop3A_257, %parallel_loop3A_265 : vector<16xi32>
        %parallel_loop3A_267 = vector.bitcast %parallel_loop3A_266 : vector<16xi32> to vector<16xf32>
        %parallel_loop3A_268 = arith.constant 16 : i32
        %parallel_loop3A_269 = vector.broadcast %parallel_loop3A_268 : i32 to vector<16xi32>
        %parallel_loop3A_270 = arith.shli %parallel_loop3A_257, %parallel_loop3A_269 : vector<16xi32>
        %parallel_loop3A_271 = vector.bitcast %parallel_loop3A_270 : vector<16xi32> to vector<16xf32>
        %parallel_loop3A_272 = arith.subf %parallel_loop3A_267, %parallel_loop3A_260 : vector<16xf32>
        %parallel_loop3A_273 = arith.subf %parallel_loop3A_271, %parallel_loop3A_264 : vector<16xf32>
        %parallel_loop3A_274 = arith.mulf %parallel_loop3A_272, %parallel_loop3A_272 : vector<16xf32>
        %parallel_loop3A_275 = arith.mulf %parallel_loop3A_273, %parallel_loop3A_273 : vector<16xf32>
        %parallel_loop3A_276 = arith.addf %parallel_loop3A_274, %parallel_loop3A_275 : vector<16xf32>
        %parallel_loop3A_277 = vector.bitcast %parallel_loop3A_276 : vector<16xf32> to vector<16xi32>
        %parallel_loop3A_278 = arith.constant 1 : i32
        %parallel_loop3A_279 = vector.broadcast %parallel_loop3A_278 : i32 to vector<16xi32>
        %parallel_loop3A_280 = arith.shrsi %parallel_loop3A_277, %parallel_loop3A_279 : vector<16xi32>
        %parallel_loop3A_281 = arith.constant 1597463174 : i32
        %parallel_loop3A_282 = vector.broadcast %parallel_loop3A_281 : i32 to vector<16xi32>
        %parallel_loop3A_283 = arith.subi %parallel_loop3A_282, %parallel_loop3A_280 : vector<16xi32>
        %parallel_loop3A_284 = vector.bitcast %parallel_loop3A_283 : vector<16xi32> to vector<16xf32>
        %parallel_loop3A_285 = arith.constant 5.000000e-01 : f32
        %parallel_loop3A_286 = vector.broadcast %parallel_loop3A_285 : f32 to vector<16xf32>
        %parallel_loop3A_287 = arith.mulf %parallel_loop3A_276, %parallel_loop3A_286 : vector<16xf32>
        %parallel_loop3A_288 = arith.mulf %parallel_loop3A_287, %parallel_loop3A_284 : vector<16xf32>
        %parallel_loop3A_289 = arith.mulf %parallel_loop3A_288, %parallel_loop3A_284 : vector<16xf32>
        %parallel_loop3A_290 = arith.constant 1.500000e+00 : f32
        %parallel_loop3A_291 = vector.broadcast %parallel_loop3A_290 : f32 to vector<16xf32>
        %parallel_loop3A_292 = arith.subf %parallel_loop3A_291, %parallel_loop3A_289 : vector<16xf32>
        %parallel_loop3A_293 = arith.mulf %parallel_loop3A_284, %parallel_loop3A_292 : vector<16xf32>
        %parallel_loop3A_294 = arith.mulf %parallel_loop3A_276, %parallel_loop3A_293 : vector<16xf32>
        %parallel_loop3A_295 = arith.constant 0.000000e+00 : f32
        %parallel_loop3A_296 = vector.broadcast %parallel_loop3A_295 : f32 to vector<16xf32>
        %parallel_loop3A_297 = arith.subf %parallel_loop3A_296, %parallel_loop3A_294 : vector<16xf32>
        %parallel_loop3A_298 = math.exp %parallel_loop3A_297 : vector<16xf32>
        %parallel_loop3A_299 = arith.addf %parallel_loop3A_75, %parallel_loop3A_298 : vector<16xf32>
        scf.yield %parallel_loop3A_131, %parallel_loop3A_187, %parallel_loop3A_243, %parallel_loop3A_299 : vector<16xf32>, vector<16xf32>, vector<16xf32>, vector<16xf32>
      } {sc.loop_unroll_factor = 2 : i64, sc.parallel_access}
      %add3A_51 = arith.constant 1 : i32
      %add3A_52 = arith.addi %scan3A_26, %add3A_51 : i32
      %lt3A_53 = arith.constant 5 : i32
      %lt3A_54 = arith.cmpi slt, %add3A_52, %lt3A_53 : i32
      %convert_element_type3A_55 = arith.extui %lt3A_54 : i1 to i32
      %cond3A_56 = arith.constant 0 : i32
      %cond3A_57 = arith.cmpi ne, %convert_element_type3A_55, %cond3A_56 : i32
      scf.if %cond3A_57 {
        %add3A_71 = arith.constant 2 : i32
        %add3A_72 = arith.addi %mul3A_32, %add3A_71 : i32
        %mul3A_73 = arith.constant 4992 : i32
        %mul3A_74 = arith.muli %add3A_72, %mul3A_73 : i32
        %add3A_75 = arith.addi %mul3A_7, %mul3A_74 : i32
        %dma_start3A_76 = arith.constant 0 : i32
        %dma_start3A_77 = tpu.memref_slice %arg3[%dma_start3A_76, %add3A_75] : memref<2x1600000xi32, #tpu.memory_space<hbm>> -> memref<2x4992xi32, #tpu.memory_space<hbm>>
        %dma_start3A_78 = arith.constant 0 : i32
        %dma_start3A_79 = tpu.memref_slice %arg3[%dma_start3A_78, %add3A_75] : memref<2x1600000xi32, #tpu.memory_space<hbm>> -> memref<2x4992xi32, #tpu.memory_space<hbm>>
        tpu.enqueue_dma source(%dma_start3A_79 : memref<2x4992xi32, #tpu.memory_space<hbm>>) target(%arg6 : memref<2x4992xi32, #tpu.memory_space<vmem>>) target_semaphore(%arg10 : memref<!tpu.dma_semaphore, #tpu.memory_space<semaphore_mem>>)
      } else {
      }
      %add3A_58 = arith.constant 1 : i32
      %add3A_59 = arith.addi %mul3A_32, %add3A_58 : i32
      %mul3A_60 = arith.constant 4992 : i32
      %mul3A_61 = arith.muli %add3A_59, %mul3A_60 : i32
      %add3A_62 = arith.addi %mul3A_7, %mul3A_61 : i32
      %dma_wait3A_63 = arith.constant 0 : i32
      %dma_wait3A_64 = tpu.memref_slice %arg3[%dma_wait3A_63, %add3A_62] : memref<2x1600000xi32, #tpu.memory_space<hbm>> -> memref<2x4992xi32, #tpu.memory_space<hbm>>
      %dma_wait3A_65 = arith.constant 0 : i32
      %dma_wait3A_66 = tpu.memref_slice %arg3[%dma_wait3A_65, %add3A_62] : memref<2x1600000xi32, #tpu.memory_space<hbm>> -> memref<2x4992xi32, #tpu.memory_space<hbm>>
      tpu.wait_dma2 semaphore(%arg11 : memref<!tpu.dma_semaphore, #tpu.memory_space<semaphore_mem>>) src(%dma_wait3A_66 : memref<2x4992xi32, #tpu.memory_space<hbm>>) dst(%arg7 : memref<2x4992xi32, #tpu.memory_space<vmem>>)
      %parallel_loop3A_67 = arith.constant 0 : i32
      %parallel_loop3A_68 = arith.constant 4992 : i32
      %parallel_loop3A_69 = arith.constant 64 : i32
      %parallel_loop3A_70:4 = scf.for %parallel_loop3A_71 = %parallel_loop3A_67 to %parallel_loop3A_68 step %parallel_loop3A_69 iter_args(%parallel_loop3A_72 = %parallel_loop3A_50#0, %parallel_loop3A_73 = %parallel_loop3A_50#1, %parallel_loop3A_74 = %parallel_loop3A_50#2, %parallel_loop3A_75 = %parallel_loop3A_50#3) -> (vector<16xf32>, vector<16xf32>, vector<16xf32>, vector<16xf32>)  : i32 {
        %parallel_loop3A_76 = arith.constant 0 : i32
        %parallel_loop3A_77 = arith.addi %parallel_loop3A_71, %parallel_loop3A_76 : i32
        %parallel_loop3A_78 = arith.constant 0 : i32
        %parallel_loop3A_79 = arith.index_cast %parallel_loop3A_78 : i32 to index
        %parallel_loop3A_80 = arith.index_cast %parallel_loop3A_77 : i32 to index
        %parallel_loop3A_81 = tpu.vector_load %arg7[%parallel_loop3A_79, %parallel_loop3A_80] {strides = array<i32>} : memref<2x4992xi32, #tpu.memory_space<vmem>>, vector<16xi32>,
        %parallel_loop3A_82 = arith.constant 0 : i32
        %parallel_loop3A_83 = arith.addi %parallel_loop3A_71, %parallel_loop3A_82 : i32
        %parallel_loop3A_84 = arith.constant 1 : i32
        %parallel_loop3A_85 = arith.index_cast %parallel_loop3A_84 : i32 to index
        %parallel_loop3A_86 = arith.index_cast %parallel_loop3A_83 : i32 to index
        %parallel_loop3A_87 = tpu.vector_load %arg7[%parallel_loop3A_85, %parallel_loop3A_86] {strides = array<i32>} : memref<2x4992xi32, #tpu.memory_space<vmem>>, vector<16xi32>,
        %parallel_loop3A_88 = tpu.vector_load_idx %arg5[%parallel_loop3A_81] : memref<50000xi32, #tpu.memory_space<vmem>>[vector<16xi32>], vector<16xi32>,
        %parallel_loop3A_89 = tpu.vector_load_idx %arg5[%parallel_loop3A_87] : memref<50000xi32, #tpu.memory_space<vmem>>[vector<16xi32>], vector<16xi32>,
        %parallel_loop3A_90 = vector.broadcast %scan3A : i32 to vector<16xi32>
        %parallel_loop3A_91 = arith.andi %parallel_loop3A_88, %parallel_loop3A_90 : vector<16xi32>
        %parallel_loop3A_92 = vector.bitcast %parallel_loop3A_91 : vector<16xi32> to vector<16xf32>
        %parallel_loop3A_93 = arith.constant 16 : i32
        %parallel_loop3A_94 = vector.broadcast %parallel_loop3A_93 : i32 to vector<16xi32>
        %parallel_loop3A_95 = arith.shli %parallel_loop3A_88, %parallel_loop3A_94 : vector<16xi32>
        %parallel_loop3A_96 = vector.bitcast %parallel_loop3A_95 : vector<16xi32> to vector<16xf32>
        %parallel_loop3A_97 = vector.broadcast %scan3A : i32 to vector<16xi32>
        %parallel_loop3A_98 = arith.andi %parallel_loop3A_89, %parallel_loop3A_97 : vector<16xi32>
        %parallel_loop3A_99 = vector.bitcast %parallel_loop3A_98 : vector<16xi32> to vector<16xf32>
        %parallel_loop3A_100 = arith.constant 16 : i32
        %parallel_loop3A_101 = vector.broadcast %parallel_loop3A_100 : i32 to vector<16xi32>
        %parallel_loop3A_102 = arith.shli %parallel_loop3A_89, %parallel_loop3A_101 : vector<16xi32>
        %parallel_loop3A_103 = vector.bitcast %parallel_loop3A_102 : vector<16xi32> to vector<16xf32>
        %parallel_loop3A_104 = arith.subf %parallel_loop3A_99, %parallel_loop3A_92 : vector<16xf32>
        %parallel_loop3A_105 = arith.subf %parallel_loop3A_103, %parallel_loop3A_96 : vector<16xf32>
        %parallel_loop3A_106 = arith.mulf %parallel_loop3A_104, %parallel_loop3A_104 : vector<16xf32>
        %parallel_loop3A_107 = arith.mulf %parallel_loop3A_105, %parallel_loop3A_105 : vector<16xf32>
        %parallel_loop3A_108 = arith.addf %parallel_loop3A_106, %parallel_loop3A_107 : vector<16xf32>
        %parallel_loop3A_109 = vector.bitcast %parallel_loop3A_108 : vector<16xf32> to vector<16xi32>
        %parallel_loop3A_110 = arith.constant 1 : i32
        %parallel_loop3A_111 = vector.broadcast %parallel_loop3A_110 : i32 to vector<16xi32>
        %parallel_loop3A_112 = arith.shrsi %parallel_loop3A_109, %parallel_loop3A_111 : vector<16xi32>
        %parallel_loop3A_113 = arith.constant 1597463174 : i32
        %parallel_loop3A_114 = vector.broadcast %parallel_loop3A_113 : i32 to vector<16xi32>
        %parallel_loop3A_115 = arith.subi %parallel_loop3A_114, %parallel_loop3A_112 : vector<16xi32>
        %parallel_loop3A_116 = vector.bitcast %parallel_loop3A_115 : vector<16xi32> to vector<16xf32>
        %parallel_loop3A_117 = arith.constant 5.000000e-01 : f32
        %parallel_loop3A_118 = vector.broadcast %parallel_loop3A_117 : f32 to vector<16xf32>
        %parallel_loop3A_119 = arith.mulf %parallel_loop3A_108, %parallel_loop3A_118 : vector<16xf32>
        %parallel_loop3A_120 = arith.mulf %parallel_loop3A_119, %parallel_loop3A_116 : vector<16xf32>
        %parallel_loop3A_121 = arith.mulf %parallel_loop3A_120, %parallel_loop3A_116 : vector<16xf32>
        %parallel_loop3A_122 = arith.constant 1.500000e+00 : f32
        %parallel_loop3A_123 = vector.broadcast %parallel_loop3A_122 : f32 to vector<16xf32>
        %parallel_loop3A_124 = arith.subf %parallel_loop3A_123, %parallel_loop3A_121 : vector<16xf32>
        %parallel_loop3A_125 = arith.mulf %parallel_loop3A_116, %parallel_loop3A_124 : vector<16xf32>
        %parallel_loop3A_126 = arith.mulf %parallel_loop3A_108, %parallel_loop3A_125 : vector<16xf32>
        %parallel_loop3A_127 = arith.constant 0.000000e+00 : f32
        %parallel_loop3A_128 = vector.broadcast %parallel_loop3A_127 : f32 to vector<16xf32>
        %parallel_loop3A_129 = arith.subf %parallel_loop3A_128, %parallel_loop3A_126 : vector<16xf32>
        %parallel_loop3A_130 = math.exp %parallel_loop3A_129 : vector<16xf32>
        %parallel_loop3A_131 = arith.addf %parallel_loop3A_72, %parallel_loop3A_130 : vector<16xf32>
        %parallel_loop3A_132 = arith.constant 16 : i32
        %parallel_loop3A_133 = arith.addi %parallel_loop3A_71, %parallel_loop3A_132 : i32
        %parallel_loop3A_134 = arith.constant 0 : i32
        %parallel_loop3A_135 = arith.index_cast %parallel_loop3A_134 : i32 to index
        %parallel_loop3A_136 = arith.index_cast %parallel_loop3A_133 : i32 to index
        %parallel_loop3A_137 = tpu.vector_load %arg7[%parallel_loop3A_135, %parallel_loop3A_136] {strides = array<i32>} : memref<2x4992xi32, #tpu.memory_space<vmem>>, vector<16xi32>,
        %parallel_loop3A_138 = arith.constant 16 : i32
        %parallel_loop3A_139 = arith.addi %parallel_loop3A_71, %parallel_loop3A_138 : i32
        %parallel_loop3A_140 = arith.constant 1 : i32
        %parallel_loop3A_141 = arith.index_cast %parallel_loop3A_140 : i32 to index
        %parallel_loop3A_142 = arith.index_cast %parallel_loop3A_139 : i32 to index
        %parallel_loop3A_143 = tpu.vector_load %arg7[%parallel_loop3A_141, %parallel_loop3A_142] {strides = array<i32>} : memref<2x4992xi32, #tpu.memory_space<vmem>>, vector<16xi32>,
        %parallel_loop3A_144 = tpu.vector_load_idx %arg5[%parallel_loop3A_137] : memref<50000xi32, #tpu.memory_space<vmem>>[vector<16xi32>], vector<16xi32>,
        %parallel_loop3A_145 = tpu.vector_load_idx %arg5[%parallel_loop3A_143] : memref<50000xi32, #tpu.memory_space<vmem>>[vector<16xi32>], vector<16xi32>,
        %parallel_loop3A_146 = vector.broadcast %scan3A : i32 to vector<16xi32>
        %parallel_loop3A_147 = arith.andi %parallel_loop3A_144, %parallel_loop3A_146 : vector<16xi32>
        %parallel_loop3A_148 = vector.bitcast %parallel_loop3A_147 : vector<16xi32> to vector<16xf32>
        %parallel_loop3A_149 = arith.constant 16 : i32
        %parallel_loop3A_150 = vector.broadcast %parallel_loop3A_149 : i32 to vector<16xi32>
        %parallel_loop3A_151 = arith.shli %parallel_loop3A_144, %parallel_loop3A_150 : vector<16xi32>
        %parallel_loop3A_152 = vector.bitcast %parallel_loop3A_151 : vector<16xi32> to vector<16xf32>
        %parallel_loop3A_153 = vector.broadcast %scan3A : i32 to vector<16xi32>
        %parallel_loop3A_154 = arith.andi %parallel_loop3A_145, %parallel_loop3A_153 : vector<16xi32>
        %parallel_loop3A_155 = vector.bitcast %parallel_loop3A_154 : vector<16xi32> to vector<16xf32>
        %parallel_loop3A_156 = arith.constant 16 : i32
        %parallel_loop3A_157 = vector.broadcast %parallel_loop3A_156 : i32 to vector<16xi32>
        %parallel_loop3A_158 = arith.shli %parallel_loop3A_145, %parallel_loop3A_157 : vector<16xi32>
        %parallel_loop3A_159 = vector.bitcast %parallel_loop3A_158 : vector<16xi32> to vector<16xf32>
        %parallel_loop3A_160 = arith.subf %parallel_loop3A_155, %parallel_loop3A_148 : vector<16xf32>
        %parallel_loop3A_161 = arith.subf %parallel_loop3A_159, %parallel_loop3A_152 : vector<16xf32>
        %parallel_loop3A_162 = arith.mulf %parallel_loop3A_160, %parallel_loop3A_160 : vector<16xf32>
        %parallel_loop3A_163 = arith.mulf %parallel_loop3A_161, %parallel_loop3A_161 : vector<16xf32>
        %parallel_loop3A_164 = arith.addf %parallel_loop3A_162, %parallel_loop3A_163 : vector<16xf32>
        %parallel_loop3A_165 = vector.bitcast %parallel_loop3A_164 : vector<16xf32> to vector<16xi32>
        %parallel_loop3A_166 = arith.constant 1 : i32
        %parallel_loop3A_167 = vector.broadcast %parallel_loop3A_166 : i32 to vector<16xi32>
        %parallel_loop3A_168 = arith.shrsi %parallel_loop3A_165, %parallel_loop3A_167 : vector<16xi32>
        %parallel_loop3A_169 = arith.constant 1597463174 : i32
        %parallel_loop3A_170 = vector.broadcast %parallel_loop3A_169 : i32 to vector<16xi32>
        %parallel_loop3A_171 = arith.subi %parallel_loop3A_170, %parallel_loop3A_168 : vector<16xi32>
        %parallel_loop3A_172 = vector.bitcast %parallel_loop3A_171 : vector<16xi32> to vector<16xf32>
        %parallel_loop3A_173 = arith.constant 5.000000e-01 : f32
        %parallel_loop3A_174 = vector.broadcast %parallel_loop3A_173 : f32 to vector<16xf32>
        %parallel_loop3A_175 = arith.mulf %parallel_loop3A_164, %parallel_loop3A_174 : vector<16xf32>
        %parallel_loop3A_176 = arith.mulf %parallel_loop3A_175, %parallel_loop3A_172 : vector<16xf32>
        %parallel_loop3A_177 = arith.mulf %parallel_loop3A_176, %parallel_loop3A_172 : vector<16xf32>
        %parallel_loop3A_178 = arith.constant 1.500000e+00 : f32
        %parallel_loop3A_179 = vector.broadcast %parallel_loop3A_178 : f32 to vector<16xf32>
        %parallel_loop3A_180 = arith.subf %parallel_loop3A_179, %parallel_loop3A_177 : vector<16xf32>
        %parallel_loop3A_181 = arith.mulf %parallel_loop3A_172, %parallel_loop3A_180 : vector<16xf32>
        %parallel_loop3A_182 = arith.mulf %parallel_loop3A_164, %parallel_loop3A_181 : vector<16xf32>
        %parallel_loop3A_183 = arith.constant 0.000000e+00 : f32
        %parallel_loop3A_184 = vector.broadcast %parallel_loop3A_183 : f32 to vector<16xf32>
        %parallel_loop3A_185 = arith.subf %parallel_loop3A_184, %parallel_loop3A_182 : vector<16xf32>
        %parallel_loop3A_186 = math.exp %parallel_loop3A_185 : vector<16xf32>
        %parallel_loop3A_187 = arith.addf %parallel_loop3A_73, %parallel_loop3A_186 : vector<16xf32>
        %parallel_loop3A_188 = arith.constant 32 : i32
        %parallel_loop3A_189 = arith.addi %parallel_loop3A_71, %parallel_loop3A_188 : i32
        %parallel_loop3A_190 = arith.constant 0 : i32
        %parallel_loop3A_191 = arith.index_cast %parallel_loop3A_190 : i32 to index
        %parallel_loop3A_192 = arith.index_cast %parallel_loop3A_189 : i32 to index
        %parallel_loop3A_193 = tpu.vector_load %arg7[%parallel_loop3A_191, %parallel_loop3A_192] {strides = array<i32>} : memref<2x4992xi32, #tpu.memory_space<vmem>>, vector<16xi32>,
        %parallel_loop3A_194 = arith.constant 32 : i32
        %parallel_loop3A_195 = arith.addi %parallel_loop3A_71, %parallel_loop3A_194 : i32
        %parallel_loop3A_196 = arith.constant 1 : i32
        %parallel_loop3A_197 = arith.index_cast %parallel_loop3A_196 : i32 to index
        %parallel_loop3A_198 = arith.index_cast %parallel_loop3A_195 : i32 to index
        %parallel_loop3A_199 = tpu.vector_load %arg7[%parallel_loop3A_197, %parallel_loop3A_198] {strides = array<i32>} : memref<2x4992xi32, #tpu.memory_space<vmem>>, vector<16xi32>,
        %parallel_loop3A_200 = tpu.vector_load_idx %arg5[%parallel_loop3A_193] : memref<50000xi32, #tpu.memory_space<vmem>>[vector<16xi32>], vector<16xi32>,
        %parallel_loop3A_201 = tpu.vector_load_idx %arg5[%parallel_loop3A_199] : memref<50000xi32, #tpu.memory_space<vmem>>[vector<16xi32>], vector<16xi32>,
        %parallel_loop3A_202 = vector.broadcast %scan3A : i32 to vector<16xi32>
        %parallel_loop3A_203 = arith.andi %parallel_loop3A_200, %parallel_loop3A_202 : vector<16xi32>
        %parallel_loop3A_204 = vector.bitcast %parallel_loop3A_203 : vector<16xi32> to vector<16xf32>
        %parallel_loop3A_205 = arith.constant 16 : i32
        %parallel_loop3A_206 = vector.broadcast %parallel_loop3A_205 : i32 to vector<16xi32>
        %parallel_loop3A_207 = arith.shli %parallel_loop3A_200, %parallel_loop3A_206 : vector<16xi32>
        %parallel_loop3A_208 = vector.bitcast %parallel_loop3A_207 : vector<16xi32> to vector<16xf32>
        %parallel_loop3A_209 = vector.broadcast %scan3A : i32 to vector<16xi32>
        %parallel_loop3A_210 = arith.andi %parallel_loop3A_201, %parallel_loop3A_209 : vector<16xi32>
        %parallel_loop3A_211 = vector.bitcast %parallel_loop3A_210 : vector<16xi32> to vector<16xf32>
        %parallel_loop3A_212 = arith.constant 16 : i32
        %parallel_loop3A_213 = vector.broadcast %parallel_loop3A_212 : i32 to vector<16xi32>
        %parallel_loop3A_214 = arith.shli %parallel_loop3A_201, %parallel_loop3A_213 : vector<16xi32>
        %parallel_loop3A_215 = vector.bitcast %parallel_loop3A_214 : vector<16xi32> to vector<16xf32>
        %parallel_loop3A_216 = arith.subf %parallel_loop3A_211, %parallel_loop3A_204 : vector<16xf32>
        %parallel_loop3A_217 = arith.subf %parallel_loop3A_215, %parallel_loop3A_208 : vector<16xf32>
        %parallel_loop3A_218 = arith.mulf %parallel_loop3A_216, %parallel_loop3A_216 : vector<16xf32>
        %parallel_loop3A_219 = arith.mulf %parallel_loop3A_217, %parallel_loop3A_217 : vector<16xf32>
        %parallel_loop3A_220 = arith.addf %parallel_loop3A_218, %parallel_loop3A_219 : vector<16xf32>
        %parallel_loop3A_221 = vector.bitcast %parallel_loop3A_220 : vector<16xf32> to vector<16xi32>
        %parallel_loop3A_222 = arith.constant 1 : i32
        %parallel_loop3A_223 = vector.broadcast %parallel_loop3A_222 : i32 to vector<16xi32>
        %parallel_loop3A_224 = arith.shrsi %parallel_loop3A_221, %parallel_loop3A_223 : vector<16xi32>
        %parallel_loop3A_225 = arith.constant 1597463174 : i32
        %parallel_loop3A_226 = vector.broadcast %parallel_loop3A_225 : i32 to vector<16xi32>
        %parallel_loop3A_227 = arith.subi %parallel_loop3A_226, %parallel_loop3A_224 : vector<16xi32>
        %parallel_loop3A_228 = vector.bitcast %parallel_loop3A_227 : vector<16xi32> to vector<16xf32>
        %parallel_loop3A_229 = arith.constant 5.000000e-01 : f32
        %parallel_loop3A_230 = vector.broadcast %parallel_loop3A_229 : f32 to vector<16xf32>
        %parallel_loop3A_231 = arith.mulf %parallel_loop3A_220, %parallel_loop3A_230 : vector<16xf32>
        %parallel_loop3A_232 = arith.mulf %parallel_loop3A_231, %parallel_loop3A_228 : vector<16xf32>
        %parallel_loop3A_233 = arith.mulf %parallel_loop3A_232, %parallel_loop3A_228 : vector<16xf32>
        %parallel_loop3A_234 = arith.constant 1.500000e+00 : f32
        %parallel_loop3A_235 = vector.broadcast %parallel_loop3A_234 : f32 to vector<16xf32>
        %parallel_loop3A_236 = arith.subf %parallel_loop3A_235, %parallel_loop3A_233 : vector<16xf32>
        %parallel_loop3A_237 = arith.mulf %parallel_loop3A_228, %parallel_loop3A_236 : vector<16xf32>
        %parallel_loop3A_238 = arith.mulf %parallel_loop3A_220, %parallel_loop3A_237 : vector<16xf32>
        %parallel_loop3A_239 = arith.constant 0.000000e+00 : f32
        %parallel_loop3A_240 = vector.broadcast %parallel_loop3A_239 : f32 to vector<16xf32>
        %parallel_loop3A_241 = arith.subf %parallel_loop3A_240, %parallel_loop3A_238 : vector<16xf32>
        %parallel_loop3A_242 = math.exp %parallel_loop3A_241 : vector<16xf32>
        %parallel_loop3A_243 = arith.addf %parallel_loop3A_74, %parallel_loop3A_242 : vector<16xf32>
        %parallel_loop3A_244 = arith.constant 48 : i32
        %parallel_loop3A_245 = arith.addi %parallel_loop3A_71, %parallel_loop3A_244 : i32
        %parallel_loop3A_246 = arith.constant 0 : i32
        %parallel_loop3A_247 = arith.index_cast %parallel_loop3A_246 : i32 to index
        %parallel_loop3A_248 = arith.index_cast %parallel_loop3A_245 : i32 to index
        %parallel_loop3A_249 = tpu.vector_load %arg7[%parallel_loop3A_247, %parallel_loop3A_248] {strides = array<i32>} : memref<2x4992xi32, #tpu.memory_space<vmem>>, vector<16xi32>,
        %parallel_loop3A_250 = arith.constant 48 : i32
        %parallel_loop3A_251 = arith.addi %parallel_loop3A_71, %parallel_loop3A_250 : i32
        %parallel_loop3A_252 = arith.constant 1 : i32
        %parallel_loop3A_253 = arith.index_cast %parallel_loop3A_252 : i32 to index
        %parallel_loop3A_254 = arith.index_cast %parallel_loop3A_251 : i32 to index
        %parallel_loop3A_255 = tpu.vector_load %arg7[%parallel_loop3A_253, %parallel_loop3A_254] {strides = array<i32>} : memref<2x4992xi32, #tpu.memory_space<vmem>>, vector<16xi32>,
        %parallel_loop3A_256 = tpu.vector_load_idx %arg5[%parallel_loop3A_249] : memref<50000xi32, #tpu.memory_space<vmem>>[vector<16xi32>], vector<16xi32>,
        %parallel_loop3A_257 = tpu.vector_load_idx %arg5[%parallel_loop3A_255] : memref<50000xi32, #tpu.memory_space<vmem>>[vector<16xi32>], vector<16xi32>,
        %parallel_loop3A_258 = vector.broadcast %scan3A : i32 to vector<16xi32>
        %parallel_loop3A_259 = arith.andi %parallel_loop3A_256, %parallel_loop3A_258 : vector<16xi32>
        %parallel_loop3A_260 = vector.bitcast %parallel_loop3A_259 : vector<16xi32> to vector<16xf32>
        %parallel_loop3A_261 = arith.constant 16 : i32
        %parallel_loop3A_262 = vector.broadcast %parallel_loop3A_261 : i32 to vector<16xi32>
        %parallel_loop3A_263 = arith.shli %parallel_loop3A_256, %parallel_loop3A_262 : vector<16xi32>
        %parallel_loop3A_264 = vector.bitcast %parallel_loop3A_263 : vector<16xi32> to vector<16xf32>
        %parallel_loop3A_265 = vector.broadcast %scan3A : i32 to vector<16xi32>
        %parallel_loop3A_266 = arith.andi %parallel_loop3A_257, %parallel_loop3A_265 : vector<16xi32>
        %parallel_loop3A_267 = vector.bitcast %parallel_loop3A_266 : vector<16xi32> to vector<16xf32>
        %parallel_loop3A_268 = arith.constant 16 : i32
        %parallel_loop3A_269 = vector.broadcast %parallel_loop3A_268 : i32 to vector<16xi32>
        %parallel_loop3A_270 = arith.shli %parallel_loop3A_257, %parallel_loop3A_269 : vector<16xi32>
        %parallel_loop3A_271 = vector.bitcast %parallel_loop3A_270 : vector<16xi32> to vector<16xf32>
        %parallel_loop3A_272 = arith.subf %parallel_loop3A_267, %parallel_loop3A_260 : vector<16xf32>
        %parallel_loop3A_273 = arith.subf %parallel_loop3A_271, %parallel_loop3A_264 : vector<16xf32>
        %parallel_loop3A_274 = arith.mulf %parallel_loop3A_272, %parallel_loop3A_272 : vector<16xf32>
        %parallel_loop3A_275 = arith.mulf %parallel_loop3A_273, %parallel_loop3A_273 : vector<16xf32>
        %parallel_loop3A_276 = arith.addf %parallel_loop3A_274, %parallel_loop3A_275 : vector<16xf32>
        %parallel_loop3A_277 = vector.bitcast %parallel_loop3A_276 : vector<16xf32> to vector<16xi32>
        %parallel_loop3A_278 = arith.constant 1 : i32
        %parallel_loop3A_279 = vector.broadcast %parallel_loop3A_278 : i32 to vector<16xi32>
        %parallel_loop3A_280 = arith.shrsi %parallel_loop3A_277, %parallel_loop3A_279 : vector<16xi32>
        %parallel_loop3A_281 = arith.constant 1597463174 : i32
        %parallel_loop3A_282 = vector.broadcast %parallel_loop3A_281 : i32 to vector<16xi32>
        %parallel_loop3A_283 = arith.subi %parallel_loop3A_282, %parallel_loop3A_280 : vector<16xi32>
        %parallel_loop3A_284 = vector.bitcast %parallel_loop3A_283 : vector<16xi32> to vector<16xf32>
        %parallel_loop3A_285 = arith.constant 5.000000e-01 : f32
        %parallel_loop3A_286 = vector.broadcast %parallel_loop3A_285 : f32 to vector<16xf32>
        %parallel_loop3A_287 = arith.mulf %parallel_loop3A_276, %parallel_loop3A_286 : vector<16xf32>
        %parallel_loop3A_288 = arith.mulf %parallel_loop3A_287, %parallel_loop3A_284 : vector<16xf32>
        %parallel_loop3A_289 = arith.mulf %parallel_loop3A_288, %parallel_loop3A_284 : vector<16xf32>
        %parallel_loop3A_290 = arith.constant 1.500000e+00 : f32
        %parallel_loop3A_291 = vector.broadcast %parallel_loop3A_290 : f32 to vector<16xf32>
        %parallel_loop3A_292 = arith.subf %parallel_loop3A_291, %parallel_loop3A_289 : vector<16xf32>
        %parallel_loop3A_293 = arith.mulf %parallel_loop3A_284, %parallel_loop3A_292 : vector<16xf32>
        %parallel_loop3A_294 = arith.mulf %parallel_loop3A_276, %parallel_loop3A_293 : vector<16xf32>
        %parallel_loop3A_295 = arith.constant 0.000000e+00 : f32
        %parallel_loop3A_296 = vector.broadcast %parallel_loop3A_295 : f32 to vector<16xf32>
        %parallel_loop3A_297 = arith.subf %parallel_loop3A_296, %parallel_loop3A_294 : vector<16xf32>
        %parallel_loop3A_298 = math.exp %parallel_loop3A_297 : vector<16xf32>
        %parallel_loop3A_299 = arith.addf %parallel_loop3A_75, %parallel_loop3A_298 : vector<16xf32>
        scf.yield %parallel_loop3A_131, %parallel_loop3A_187, %parallel_loop3A_243, %parallel_loop3A_299 : vector<16xf32>, vector<16xf32>, vector<16xf32>, vector<16xf32>
      } {sc.loop_unroll_factor = 2 : i64, sc.parallel_access}
      scf.yield %parallel_loop3A_70#0, %parallel_loop3A_70#1, %parallel_loop3A_70#2, %parallel_loop3A_70#3 : vector<16xf32>, vector<16xf32>, vector<16xf32>, vector<16xf32>
    }
    %scan3A_19 = arith.constant 5 : i32
    %convert_element_type3A = arith.extui %lt3A_5 : i1 to i32
    %cond3A = arith.constant -65536 : i32
    %cond3A_20 = arith.constant 0 : i32
    %cond3A_21 = arith.cmpi ne, %convert_element_type3A, %cond3A_20 : i32
    scf.if %cond3A_21 {
      %add3A_26 = arith.constant 49920 : i32
      %add3A_27 = arith.addi %mul3A_7, %add3A_26 : i32
      "tpu.region"() ({
        %run_scoped3A = tpu.sem_alloc : memref<!tpu.dma_semaphore, #tpu.memory_space<semaphore_mem>>
        %dma_start3A_35 = arith.constant 0 : i32
        %dma_start3A_36 = arith.constant 0 : i32
        %dma_start3A_37 = tpu.memref_slice %arg6[%dma_start3A_35, %dma_start3A_36] : memref<2x4992xi32, #tpu.memory_space<vmem>> -> memref<2x128xi32, #tpu.memory_space<vmem>>
        %dma_start3A_38 = arith.constant 0 : i32
        %dma_start3A_39 = tpu.memref_slice %arg3[%dma_start3A_38, %add3A_27] : memref<2x1600000xi32, #tpu.memory_space<hbm>> -> memref<2x128xi32, #tpu.memory_space<hbm>>
        %dma_start3A_40 = arith.constant 0 : i32
        %dma_start3A_41 = arith.constant 0 : i32
        %dma_start3A_42 = tpu.memref_slice %arg6[%dma_start3A_40, %dma_start3A_41] : memref<2x4992xi32, #tpu.memory_space<vmem>> -> memref<2x128xi32, #tpu.memory_space<vmem>>
        %dma_start3A_43 = arith.constant 0 : i32
        %dma_start3A_44 = tpu.memref_slice %arg3[%dma_start3A_43, %add3A_27] : memref<2x1600000xi32, #tpu.memory_space<hbm>> -> memref<2x128xi32, #tpu.memory_space<hbm>>
        tpu.enqueue_dma source(%dma_start3A_44 : memref<2x128xi32, #tpu.memory_space<hbm>>) target(%dma_start3A_42 : memref<2x128xi32, #tpu.memory_space<vmem>>) target_semaphore(%run_scoped3A : memref<!tpu.dma_semaphore, #tpu.memory_space<semaphore_mem>>)
        %dma_wait3A = arith.constant 0 : i32
        %dma_wait3A_45 = arith.constant 0 : i32
        %dma_wait3A_46 = tpu.memref_slice %arg6[%dma_wait3A, %dma_wait3A_45] : memref<2x4992xi32, #tpu.memory_space<vmem>> -> memref<2x128xi32, #tpu.memory_space<vmem>>
        %dma_wait3A_47 = arith.constant 0 : i32
        %dma_wait3A_48 = tpu.memref_slice %arg3[%dma_wait3A_47, %add3A_27] : memref<2x1600000xi32, #tpu.memory_space<hbm>> -> memref<2x128xi32, #tpu.memory_space<hbm>>
        %dma_wait3A_49 = arith.constant 0 : i32
        %dma_wait3A_50 = arith.constant 0 : i32
        %dma_wait3A_51 = tpu.memref_slice %arg6[%dma_wait3A_49, %dma_wait3A_50] : memref<2x4992xi32, #tpu.memory_space<vmem>> -> memref<2x128xi32, #tpu.memory_space<vmem>>
        %dma_wait3A_52 = arith.constant 0 : i32
        %dma_wait3A_53 = tpu.memref_slice %arg3[%dma_wait3A_52, %add3A_27] : memref<2x1600000xi32, #tpu.memory_space<hbm>> -> memref<2x128xi32, #tpu.memory_space<hbm>>
        tpu.wait_dma2 semaphore(%run_scoped3A : memref<!tpu.dma_semaphore, #tpu.memory_space<semaphore_mem>>) src(%dma_wait3A_53 : memref<2x128xi32, #tpu.memory_space<hbm>>) dst(%dma_wait3A_51 : memref<2x128xi32, #tpu.memory_space<vmem>>)
        tpu.yield
      }) : () -> ()
      %parallel_loop3A = arith.constant 0 : i32
      %parallel_loop3A_28 = arith.constant 128 : i32
      %parallel_loop3A_29 = arith.constant 64 : i32
      %parallel_loop3A_30:4 = scf.for %parallel_loop3A_35 = %parallel_loop3A to %parallel_loop3A_28 step %parallel_loop3A_29 iter_args(%parallel_loop3A_36 = %scan3A_18#0, %parallel_loop3A_37 = %scan3A_18#1, %parallel_loop3A_38 = %scan3A_18#2, %parallel_loop3A_39 = %scan3A_18#3) -> (vector<16xf32>, vector<16xf32>, vector<16xf32>, vector<16xf32>)  : i32 {
        %parallel_loop3A_40 = arith.constant 0 : i32
        %parallel_loop3A_41 = arith.addi %parallel_loop3A_35, %parallel_loop3A_40 : i32
        %parallel_loop3A_42 = arith.constant 0 : i32
        %parallel_loop3A_43 = arith.index_cast %parallel_loop3A_42 : i32 to index
        %parallel_loop3A_44 = arith.index_cast %parallel_loop3A_41 : i32 to index
        %parallel_loop3A_45 = tpu.vector_load %arg6[%parallel_loop3A_43, %parallel_loop3A_44] {strides = array<i32>} : memref<2x4992xi32, #tpu.memory_space<vmem>>, vector<16xi32>,
        %parallel_loop3A_46 = arith.constant 0 : i32
        %parallel_loop3A_47 = arith.addi %parallel_loop3A_35, %parallel_loop3A_46 : i32
        %parallel_loop3A_48 = arith.constant 1 : i32
        %parallel_loop3A_49 = arith.index_cast %parallel_loop3A_48 : i32 to index
        %parallel_loop3A_50 = arith.index_cast %parallel_loop3A_47 : i32 to index
        %parallel_loop3A_51 = tpu.vector_load %arg6[%parallel_loop3A_49, %parallel_loop3A_50] {strides = array<i32>} : memref<2x4992xi32, #tpu.memory_space<vmem>>, vector<16xi32>,
        %parallel_loop3A_52 = tpu.vector_load_idx %arg5[%parallel_loop3A_45] : memref<50000xi32, #tpu.memory_space<vmem>>[vector<16xi32>], vector<16xi32>,
        %parallel_loop3A_53 = tpu.vector_load_idx %arg5[%parallel_loop3A_51] : memref<50000xi32, #tpu.memory_space<vmem>>[vector<16xi32>], vector<16xi32>,
        %parallel_loop3A_54 = vector.broadcast %cond3A : i32 to vector<16xi32>
        %parallel_loop3A_55 = arith.andi %parallel_loop3A_52, %parallel_loop3A_54 : vector<16xi32>
        %parallel_loop3A_56 = vector.bitcast %parallel_loop3A_55 : vector<16xi32> to vector<16xf32>
        %parallel_loop3A_57 = arith.constant 16 : i32
        %parallel_loop3A_58 = vector.broadcast %parallel_loop3A_57 : i32 to vector<16xi32>
        %parallel_loop3A_59 = arith.shli %parallel_loop3A_52, %parallel_loop3A_58 : vector<16xi32>
        %parallel_loop3A_60 = vector.bitcast %parallel_loop3A_59 : vector<16xi32> to vector<16xf32>
        %parallel_loop3A_61 = vector.broadcast %cond3A : i32 to vector<16xi32>
        %parallel_loop3A_62 = arith.andi %parallel_loop3A_53, %parallel_loop3A_61 : vector<16xi32>
        %parallel_loop3A_63 = vector.bitcast %parallel_loop3A_62 : vector<16xi32> to vector<16xf32>
        %parallel_loop3A_64 = arith.constant 16 : i32
        %parallel_loop3A_65 = vector.broadcast %parallel_loop3A_64 : i32 to vector<16xi32>
        %parallel_loop3A_66 = arith.shli %parallel_loop3A_53, %parallel_loop3A_65 : vector<16xi32>
        %parallel_loop3A_67 = vector.bitcast %parallel_loop3A_66 : vector<16xi32> to vector<16xf32>
        %parallel_loop3A_68 = arith.subf %parallel_loop3A_63, %parallel_loop3A_56 : vector<16xf32>
        %parallel_loop3A_69 = arith.subf %parallel_loop3A_67, %parallel_loop3A_60 : vector<16xf32>
        %parallel_loop3A_70 = arith.mulf %parallel_loop3A_68, %parallel_loop3A_68 : vector<16xf32>
        %parallel_loop3A_71 = arith.mulf %parallel_loop3A_69, %parallel_loop3A_69 : vector<16xf32>
        %parallel_loop3A_72 = arith.addf %parallel_loop3A_70, %parallel_loop3A_71 : vector<16xf32>
        %parallel_loop3A_73 = vector.bitcast %parallel_loop3A_72 : vector<16xf32> to vector<16xi32>
        %parallel_loop3A_74 = arith.constant 1 : i32
        %parallel_loop3A_75 = vector.broadcast %parallel_loop3A_74 : i32 to vector<16xi32>
        %parallel_loop3A_76 = arith.shrsi %parallel_loop3A_73, %parallel_loop3A_75 : vector<16xi32>
        %parallel_loop3A_77 = arith.constant 1597463174 : i32
        %parallel_loop3A_78 = vector.broadcast %parallel_loop3A_77 : i32 to vector<16xi32>
        %parallel_loop3A_79 = arith.subi %parallel_loop3A_78, %parallel_loop3A_76 : vector<16xi32>
        %parallel_loop3A_80 = vector.bitcast %parallel_loop3A_79 : vector<16xi32> to vector<16xf32>
        %parallel_loop3A_81 = arith.constant 5.000000e-01 : f32
        %parallel_loop3A_82 = vector.broadcast %parallel_loop3A_81 : f32 to vector<16xf32>
        %parallel_loop3A_83 = arith.mulf %parallel_loop3A_72, %parallel_loop3A_82 : vector<16xf32>
        %parallel_loop3A_84 = arith.mulf %parallel_loop3A_83, %parallel_loop3A_80 : vector<16xf32>
        %parallel_loop3A_85 = arith.mulf %parallel_loop3A_84, %parallel_loop3A_80 : vector<16xf32>
        %parallel_loop3A_86 = arith.constant 1.500000e+00 : f32
        %parallel_loop3A_87 = vector.broadcast %parallel_loop3A_86 : f32 to vector<16xf32>
        %parallel_loop3A_88 = arith.subf %parallel_loop3A_87, %parallel_loop3A_85 : vector<16xf32>
        %parallel_loop3A_89 = arith.mulf %parallel_loop3A_80, %parallel_loop3A_88 : vector<16xf32>
        %parallel_loop3A_90 = arith.mulf %parallel_loop3A_72, %parallel_loop3A_89 : vector<16xf32>
        %parallel_loop3A_91 = arith.constant 0.000000e+00 : f32
        %parallel_loop3A_92 = vector.broadcast %parallel_loop3A_91 : f32 to vector<16xf32>
        %parallel_loop3A_93 = arith.subf %parallel_loop3A_92, %parallel_loop3A_90 : vector<16xf32>
        %parallel_loop3A_94 = math.exp %parallel_loop3A_93 : vector<16xf32>
        %parallel_loop3A_95 = arith.addf %parallel_loop3A_36, %parallel_loop3A_94 : vector<16xf32>
        %parallel_loop3A_96 = arith.constant 16 : i32
        %parallel_loop3A_97 = arith.addi %parallel_loop3A_35, %parallel_loop3A_96 : i32
        %parallel_loop3A_98 = arith.constant 0 : i32
        %parallel_loop3A_99 = arith.index_cast %parallel_loop3A_98 : i32 to index
        %parallel_loop3A_100 = arith.index_cast %parallel_loop3A_97 : i32 to index
        %parallel_loop3A_101 = tpu.vector_load %arg6[%parallel_loop3A_99, %parallel_loop3A_100] {strides = array<i32>} : memref<2x4992xi32, #tpu.memory_space<vmem>>, vector<16xi32>,
        %parallel_loop3A_102 = arith.constant 16 : i32
        %parallel_loop3A_103 = arith.addi %parallel_loop3A_35, %parallel_loop3A_102 : i32
        %parallel_loop3A_104 = arith.constant 1 : i32
        %parallel_loop3A_105 = arith.index_cast %parallel_loop3A_104 : i32 to index
        %parallel_loop3A_106 = arith.index_cast %parallel_loop3A_103 : i32 to index
        %parallel_loop3A_107 = tpu.vector_load %arg6[%parallel_loop3A_105, %parallel_loop3A_106] {strides = array<i32>} : memref<2x4992xi32, #tpu.memory_space<vmem>>, vector<16xi32>,
        %parallel_loop3A_108 = tpu.vector_load_idx %arg5[%parallel_loop3A_101] : memref<50000xi32, #tpu.memory_space<vmem>>[vector<16xi32>], vector<16xi32>,
        %parallel_loop3A_109 = tpu.vector_load_idx %arg5[%parallel_loop3A_107] : memref<50000xi32, #tpu.memory_space<vmem>>[vector<16xi32>], vector<16xi32>,
        %parallel_loop3A_110 = vector.broadcast %cond3A : i32 to vector<16xi32>
        %parallel_loop3A_111 = arith.andi %parallel_loop3A_108, %parallel_loop3A_110 : vector<16xi32>
        %parallel_loop3A_112 = vector.bitcast %parallel_loop3A_111 : vector<16xi32> to vector<16xf32>
        %parallel_loop3A_113 = arith.constant 16 : i32
        %parallel_loop3A_114 = vector.broadcast %parallel_loop3A_113 : i32 to vector<16xi32>
        %parallel_loop3A_115 = arith.shli %parallel_loop3A_108, %parallel_loop3A_114 : vector<16xi32>
        %parallel_loop3A_116 = vector.bitcast %parallel_loop3A_115 : vector<16xi32> to vector<16xf32>
        %parallel_loop3A_117 = vector.broadcast %cond3A : i32 to vector<16xi32>
        %parallel_loop3A_118 = arith.andi %parallel_loop3A_109, %parallel_loop3A_117 : vector<16xi32>
        %parallel_loop3A_119 = vector.bitcast %parallel_loop3A_118 : vector<16xi32> to vector<16xf32>
        %parallel_loop3A_120 = arith.constant 16 : i32
        %parallel_loop3A_121 = vector.broadcast %parallel_loop3A_120 : i32 to vector<16xi32>
        %parallel_loop3A_122 = arith.shli %parallel_loop3A_109, %parallel_loop3A_121 : vector<16xi32>
        %parallel_loop3A_123 = vector.bitcast %parallel_loop3A_122 : vector<16xi32> to vector<16xf32>
        %parallel_loop3A_124 = arith.subf %parallel_loop3A_119, %parallel_loop3A_112 : vector<16xf32>
        %parallel_loop3A_125 = arith.subf %parallel_loop3A_123, %parallel_loop3A_116 : vector<16xf32>
        %parallel_loop3A_126 = arith.mulf %parallel_loop3A_124, %parallel_loop3A_124 : vector<16xf32>
        %parallel_loop3A_127 = arith.mulf %parallel_loop3A_125, %parallel_loop3A_125 : vector<16xf32>
        %parallel_loop3A_128 = arith.addf %parallel_loop3A_126, %parallel_loop3A_127 : vector<16xf32>
        %parallel_loop3A_129 = vector.bitcast %parallel_loop3A_128 : vector<16xf32> to vector<16xi32>
        %parallel_loop3A_130 = arith.constant 1 : i32
        %parallel_loop3A_131 = vector.broadcast %parallel_loop3A_130 : i32 to vector<16xi32>
        %parallel_loop3A_132 = arith.shrsi %parallel_loop3A_129, %parallel_loop3A_131 : vector<16xi32>
        %parallel_loop3A_133 = arith.constant 1597463174 : i32
        %parallel_loop3A_134 = vector.broadcast %parallel_loop3A_133 : i32 to vector<16xi32>
        %parallel_loop3A_135 = arith.subi %parallel_loop3A_134, %parallel_loop3A_132 : vector<16xi32>
        %parallel_loop3A_136 = vector.bitcast %parallel_loop3A_135 : vector<16xi32> to vector<16xf32>
        %parallel_loop3A_137 = arith.constant 5.000000e-01 : f32
        %parallel_loop3A_138 = vector.broadcast %parallel_loop3A_137 : f32 to vector<16xf32>
        %parallel_loop3A_139 = arith.mulf %parallel_loop3A_128, %parallel_loop3A_138 : vector<16xf32>
        %parallel_loop3A_140 = arith.mulf %parallel_loop3A_139, %parallel_loop3A_136 : vector<16xf32>
        %parallel_loop3A_141 = arith.mulf %parallel_loop3A_140, %parallel_loop3A_136 : vector<16xf32>
        %parallel_loop3A_142 = arith.constant 1.500000e+00 : f32
        %parallel_loop3A_143 = vector.broadcast %parallel_loop3A_142 : f32 to vector<16xf32>
        %parallel_loop3A_144 = arith.subf %parallel_loop3A_143, %parallel_loop3A_141 : vector<16xf32>
        %parallel_loop3A_145 = arith.mulf %parallel_loop3A_136, %parallel_loop3A_144 : vector<16xf32>
        %parallel_loop3A_146 = arith.mulf %parallel_loop3A_128, %parallel_loop3A_145 : vector<16xf32>
        %parallel_loop3A_147 = arith.constant 0.000000e+00 : f32
        %parallel_loop3A_148 = vector.broadcast %parallel_loop3A_147 : f32 to vector<16xf32>
        %parallel_loop3A_149 = arith.subf %parallel_loop3A_148, %parallel_loop3A_146 : vector<16xf32>
        %parallel_loop3A_150 = math.exp %parallel_loop3A_149 : vector<16xf32>
        %parallel_loop3A_151 = arith.addf %parallel_loop3A_37, %parallel_loop3A_150 : vector<16xf32>
        %parallel_loop3A_152 = arith.constant 32 : i32
        %parallel_loop3A_153 = arith.addi %parallel_loop3A_35, %parallel_loop3A_152 : i32
        %parallel_loop3A_154 = arith.constant 0 : i32
        %parallel_loop3A_155 = arith.index_cast %parallel_loop3A_154 : i32 to index
        %parallel_loop3A_156 = arith.index_cast %parallel_loop3A_153 : i32 to index
        %parallel_loop3A_157 = tpu.vector_load %arg6[%parallel_loop3A_155, %parallel_loop3A_156] {strides = array<i32>} : memref<2x4992xi32, #tpu.memory_space<vmem>>, vector<16xi32>,
        %parallel_loop3A_158 = arith.constant 32 : i32
        %parallel_loop3A_159 = arith.addi %parallel_loop3A_35, %parallel_loop3A_158 : i32
        %parallel_loop3A_160 = arith.constant 1 : i32
        %parallel_loop3A_161 = arith.index_cast %parallel_loop3A_160 : i32 to index
        %parallel_loop3A_162 = arith.index_cast %parallel_loop3A_159 : i32 to index
        %parallel_loop3A_163 = tpu.vector_load %arg6[%parallel_loop3A_161, %parallel_loop3A_162] {strides = array<i32>} : memref<2x4992xi32, #tpu.memory_space<vmem>>, vector<16xi32>,
        %parallel_loop3A_164 = tpu.vector_load_idx %arg5[%parallel_loop3A_157] : memref<50000xi32, #tpu.memory_space<vmem>>[vector<16xi32>], vector<16xi32>,
        %parallel_loop3A_165 = tpu.vector_load_idx %arg5[%parallel_loop3A_163] : memref<50000xi32, #tpu.memory_space<vmem>>[vector<16xi32>], vector<16xi32>,
        %parallel_loop3A_166 = vector.broadcast %cond3A : i32 to vector<16xi32>
        %parallel_loop3A_167 = arith.andi %parallel_loop3A_164, %parallel_loop3A_166 : vector<16xi32>
        %parallel_loop3A_168 = vector.bitcast %parallel_loop3A_167 : vector<16xi32> to vector<16xf32>
        %parallel_loop3A_169 = arith.constant 16 : i32
        %parallel_loop3A_170 = vector.broadcast %parallel_loop3A_169 : i32 to vector<16xi32>
        %parallel_loop3A_171 = arith.shli %parallel_loop3A_164, %parallel_loop3A_170 : vector<16xi32>
        %parallel_loop3A_172 = vector.bitcast %parallel_loop3A_171 : vector<16xi32> to vector<16xf32>
        %parallel_loop3A_173 = vector.broadcast %cond3A : i32 to vector<16xi32>
        %parallel_loop3A_174 = arith.andi %parallel_loop3A_165, %parallel_loop3A_173 : vector<16xi32>
        %parallel_loop3A_175 = vector.bitcast %parallel_loop3A_174 : vector<16xi32> to vector<16xf32>
        %parallel_loop3A_176 = arith.constant 16 : i32
        %parallel_loop3A_177 = vector.broadcast %parallel_loop3A_176 : i32 to vector<16xi32>
        %parallel_loop3A_178 = arith.shli %parallel_loop3A_165, %parallel_loop3A_177 : vector<16xi32>
        %parallel_loop3A_179 = vector.bitcast %parallel_loop3A_178 : vector<16xi32> to vector<16xf32>
        %parallel_loop3A_180 = arith.subf %parallel_loop3A_175, %parallel_loop3A_168 : vector<16xf32>
        %parallel_loop3A_181 = arith.subf %parallel_loop3A_179, %parallel_loop3A_172 : vector<16xf32>
        %parallel_loop3A_182 = arith.mulf %parallel_loop3A_180, %parallel_loop3A_180 : vector<16xf32>
        %parallel_loop3A_183 = arith.mulf %parallel_loop3A_181, %parallel_loop3A_181 : vector<16xf32>
        %parallel_loop3A_184 = arith.addf %parallel_loop3A_182, %parallel_loop3A_183 : vector<16xf32>
        %parallel_loop3A_185 = vector.bitcast %parallel_loop3A_184 : vector<16xf32> to vector<16xi32>
        %parallel_loop3A_186 = arith.constant 1 : i32
        %parallel_loop3A_187 = vector.broadcast %parallel_loop3A_186 : i32 to vector<16xi32>
        %parallel_loop3A_188 = arith.shrsi %parallel_loop3A_185, %parallel_loop3A_187 : vector<16xi32>
        %parallel_loop3A_189 = arith.constant 1597463174 : i32
        %parallel_loop3A_190 = vector.broadcast %parallel_loop3A_189 : i32 to vector<16xi32>
        %parallel_loop3A_191 = arith.subi %parallel_loop3A_190, %parallel_loop3A_188 : vector<16xi32>
        %parallel_loop3A_192 = vector.bitcast %parallel_loop3A_191 : vector<16xi32> to vector<16xf32>
        %parallel_loop3A_193 = arith.constant 5.000000e-01 : f32
        %parallel_loop3A_194 = vector.broadcast %parallel_loop3A_193 : f32 to vector<16xf32>
        %parallel_loop3A_195 = arith.mulf %parallel_loop3A_184, %parallel_loop3A_194 : vector<16xf32>
        %parallel_loop3A_196 = arith.mulf %parallel_loop3A_195, %parallel_loop3A_192 : vector<16xf32>
        %parallel_loop3A_197 = arith.mulf %parallel_loop3A_196, %parallel_loop3A_192 : vector<16xf32>
        %parallel_loop3A_198 = arith.constant 1.500000e+00 : f32
        %parallel_loop3A_199 = vector.broadcast %parallel_loop3A_198 : f32 to vector<16xf32>
        %parallel_loop3A_200 = arith.subf %parallel_loop3A_199, %parallel_loop3A_197 : vector<16xf32>
        %parallel_loop3A_201 = arith.mulf %parallel_loop3A_192, %parallel_loop3A_200 : vector<16xf32>
        %parallel_loop3A_202 = arith.mulf %parallel_loop3A_184, %parallel_loop3A_201 : vector<16xf32>
        %parallel_loop3A_203 = arith.constant 0.000000e+00 : f32
        %parallel_loop3A_204 = vector.broadcast %parallel_loop3A_203 : f32 to vector<16xf32>
        %parallel_loop3A_205 = arith.subf %parallel_loop3A_204, %parallel_loop3A_202 : vector<16xf32>
        %parallel_loop3A_206 = math.exp %parallel_loop3A_205 : vector<16xf32>
        %parallel_loop3A_207 = arith.addf %parallel_loop3A_38, %parallel_loop3A_206 : vector<16xf32>
        %parallel_loop3A_208 = arith.constant 48 : i32
        %parallel_loop3A_209 = arith.addi %parallel_loop3A_35, %parallel_loop3A_208 : i32
        %parallel_loop3A_210 = arith.constant 0 : i32
        %parallel_loop3A_211 = arith.index_cast %parallel_loop3A_210 : i32 to index
        %parallel_loop3A_212 = arith.index_cast %parallel_loop3A_209 : i32 to index
        %parallel_loop3A_213 = tpu.vector_load %arg6[%parallel_loop3A_211, %parallel_loop3A_212] {strides = array<i32>} : memref<2x4992xi32, #tpu.memory_space<vmem>>, vector<16xi32>,
        %parallel_loop3A_214 = arith.constant 48 : i32
        %parallel_loop3A_215 = arith.addi %parallel_loop3A_35, %parallel_loop3A_214 : i32
        %parallel_loop3A_216 = arith.constant 1 : i32
        %parallel_loop3A_217 = arith.index_cast %parallel_loop3A_216 : i32 to index
        %parallel_loop3A_218 = arith.index_cast %parallel_loop3A_215 : i32 to index
        %parallel_loop3A_219 = tpu.vector_load %arg6[%parallel_loop3A_217, %parallel_loop3A_218] {strides = array<i32>} : memref<2x4992xi32, #tpu.memory_space<vmem>>, vector<16xi32>,
        %parallel_loop3A_220 = tpu.vector_load_idx %arg5[%parallel_loop3A_213] : memref<50000xi32, #tpu.memory_space<vmem>>[vector<16xi32>], vector<16xi32>,
        %parallel_loop3A_221 = tpu.vector_load_idx %arg5[%parallel_loop3A_219] : memref<50000xi32, #tpu.memory_space<vmem>>[vector<16xi32>], vector<16xi32>,
        %parallel_loop3A_222 = vector.broadcast %cond3A : i32 to vector<16xi32>
        %parallel_loop3A_223 = arith.andi %parallel_loop3A_220, %parallel_loop3A_222 : vector<16xi32>
        %parallel_loop3A_224 = vector.bitcast %parallel_loop3A_223 : vector<16xi32> to vector<16xf32>
        %parallel_loop3A_225 = arith.constant 16 : i32
        %parallel_loop3A_226 = vector.broadcast %parallel_loop3A_225 : i32 to vector<16xi32>
        %parallel_loop3A_227 = arith.shli %parallel_loop3A_220, %parallel_loop3A_226 : vector<16xi32>
        %parallel_loop3A_228 = vector.bitcast %parallel_loop3A_227 : vector<16xi32> to vector<16xf32>
        %parallel_loop3A_229 = vector.broadcast %cond3A : i32 to vector<16xi32>
        %parallel_loop3A_230 = arith.andi %parallel_loop3A_221, %parallel_loop3A_229 : vector<16xi32>
        %parallel_loop3A_231 = vector.bitcast %parallel_loop3A_230 : vector<16xi32> to vector<16xf32>
        %parallel_loop3A_232 = arith.constant 16 : i32
        %parallel_loop3A_233 = vector.broadcast %parallel_loop3A_232 : i32 to vector<16xi32>
        %parallel_loop3A_234 = arith.shli %parallel_loop3A_221, %parallel_loop3A_233 : vector<16xi32>
        %parallel_loop3A_235 = vector.bitcast %parallel_loop3A_234 : vector<16xi32> to vector<16xf32>
        %parallel_loop3A_236 = arith.subf %parallel_loop3A_231, %parallel_loop3A_224 : vector<16xf32>
        %parallel_loop3A_237 = arith.subf %parallel_loop3A_235, %parallel_loop3A_228 : vector<16xf32>
        %parallel_loop3A_238 = arith.mulf %parallel_loop3A_236, %parallel_loop3A_236 : vector<16xf32>
        %parallel_loop3A_239 = arith.mulf %parallel_loop3A_237, %parallel_loop3A_237 : vector<16xf32>
        %parallel_loop3A_240 = arith.addf %parallel_loop3A_238, %parallel_loop3A_239 : vector<16xf32>
        %parallel_loop3A_241 = vector.bitcast %parallel_loop3A_240 : vector<16xf32> to vector<16xi32>
        %parallel_loop3A_242 = arith.constant 1 : i32
        %parallel_loop3A_243 = vector.broadcast %parallel_loop3A_242 : i32 to vector<16xi32>
        %parallel_loop3A_244 = arith.shrsi %parallel_loop3A_241, %parallel_loop3A_243 : vector<16xi32>
        %parallel_loop3A_245 = arith.constant 1597463174 : i32
        %parallel_loop3A_246 = vector.broadcast %parallel_loop3A_245 : i32 to vector<16xi32>
        %parallel_loop3A_247 = arith.subi %parallel_loop3A_246, %parallel_loop3A_244 : vector<16xi32>
        %parallel_loop3A_248 = vector.bitcast %parallel_loop3A_247 : vector<16xi32> to vector<16xf32>
        %parallel_loop3A_249 = arith.constant 5.000000e-01 : f32
        %parallel_loop3A_250 = vector.broadcast %parallel_loop3A_249 : f32 to vector<16xf32>
        %parallel_loop3A_251 = arith.mulf %parallel_loop3A_240, %parallel_loop3A_250 : vector<16xf32>
        %parallel_loop3A_252 = arith.mulf %parallel_loop3A_251, %parallel_loop3A_248 : vector<16xf32>
        %parallel_loop3A_253 = arith.mulf %parallel_loop3A_252, %parallel_loop3A_248 : vector<16xf32>
        %parallel_loop3A_254 = arith.constant 1.500000e+00 : f32
        %parallel_loop3A_255 = vector.broadcast %parallel_loop3A_254 : f32 to vector<16xf32>
        %parallel_loop3A_256 = arith.subf %parallel_loop3A_255, %parallel_loop3A_253 : vector<16xf32>
        %parallel_loop3A_257 = arith.mulf %parallel_loop3A_248, %parallel_loop3A_256 : vector<16xf32>
        %parallel_loop3A_258 = arith.mulf %parallel_loop3A_240, %parallel_loop3A_257 : vector<16xf32>
        %parallel_loop3A_259 = arith.constant 0.000000e+00 : f32
        %parallel_loop3A_260 = vector.broadcast %parallel_loop3A_259 : f32 to vector<16xf32>
        %parallel_loop3A_261 = arith.subf %parallel_loop3A_260, %parallel_loop3A_258 : vector<16xf32>
        %parallel_loop3A_262 = math.exp %parallel_loop3A_261 : vector<16xf32>
        %parallel_loop3A_263 = arith.addf %parallel_loop3A_39, %parallel_loop3A_262 : vector<16xf32>
        scf.yield %parallel_loop3A_95, %parallel_loop3A_151, %parallel_loop3A_207, %parallel_loop3A_263 : vector<16xf32>, vector<16xf32>, vector<16xf32>, vector<16xf32>
      } {sc.loop_unroll_factor = 2 : i64, sc.parallel_access}
      %add3A_31 = arith.addf %parallel_loop3A_30#0, %parallel_loop3A_30#1 : vector<16xf32>
      %add3A_32 = arith.addf %add3A_31, %parallel_loop3A_30#2 : vector<16xf32>
      %add3A_33 = arith.addf %add3A_32, %parallel_loop3A_30#3 : vector<16xf32>
      %swap3A = arith.constant 0 : index
      %swap3A_34 = tpu.vector_load %arg8[%swap3A] {strides = array<i32>} : memref<16xf32, #tpu.memory_space<vmem>>, vector<16xf32>,
      tpu.vector_store %arg8[%swap3A], %add3A_33 {strides = array<i32>} : memref<16xf32, #tpu.memory_space<vmem>>, vector<16xf32>,
    } else {
    }
    %not3A = arith.constant true
    %not3A_22 = arith.xori %lt3A_5, %not3A : i1
    %convert_element_type3A_23 = arith.extui %not3A_22 : i1 to i32
    %cond3A_24 = arith.constant 0 : i32
    %cond3A_25 = arith.cmpi ne, %convert_element_type3A_23, %cond3A_24 : i32
    scf.if %cond3A_25 {
      %add3A_26 = arith.addf %scan3A_18#0, %scan3A_18#1 : vector<16xf32>
      %add3A_27 = arith.addf %add3A_26, %scan3A_18#2 : vector<16xf32>
      %add3A_28 = arith.addf %add3A_27, %scan3A_18#3 : vector<16xf32>
      %swap3A = arith.constant 0 : index
      %swap3A_29 = tpu.vector_load %arg8[%swap3A] {strides = array<i32>} : memref<16xf32, #tpu.memory_space<vmem>>, vector<16xf32>,
      tpu.vector_store %arg8[%swap3A], %add3A_28 {strides = array<i32>} : memref<16xf32, #tpu.memory_space<vmem>>, vector<16xf32>,
    } else {
    }
    "tpu.region"() ({
      %run_scoped3A = tpu.sem_alloc : memref<!tpu.dma_semaphore, #tpu.memory_space<semaphore_mem>>
      %dma_start3A_26 = arith.constant 0 : i32
      %dma_start3A_27 = tpu.memref_slice %arg4[%add3A, %dma_start3A_26] : memref<32x16xf32, #tpu.memory_space<hbm>> -> memref<1x16xf32, #tpu.memory_space<hbm>>
      %dma_start3A_28 = tpu.memref_squeeze %dma_start3A_27 : memref<1x16xf32, #tpu.memory_space<hbm>> -> memref<16xf32, #tpu.memory_space<hbm>>
      %dma_start3A_29 = arith.constant 0 : i32
      %dma_start3A_30 = tpu.memref_slice %arg4[%add3A, %dma_start3A_29] : memref<32x16xf32, #tpu.memory_space<hbm>> -> memref<1x16xf32, #tpu.memory_space<hbm>>
      %dma_start3A_31 = tpu.memref_squeeze %dma_start3A_30 : memref<1x16xf32, #tpu.memory_space<hbm>> -> memref<16xf32, #tpu.memory_space<hbm>>
      tpu.enqueue_dma source(%arg8 : memref<16xf32, #tpu.memory_space<vmem>>) target(%dma_start3A_31 : memref<16xf32, #tpu.memory_space<hbm>>) target_semaphore(%run_scoped3A : memref<!tpu.dma_semaphore, #tpu.memory_space<semaphore_mem>>)
      %dma_wait3A = arith.constant 0 : i32
      %dma_wait3A_32 = tpu.memref_slice %arg4[%add3A, %dma_wait3A] : memref<32x16xf32, #tpu.memory_space<hbm>> -> memref<1x16xf32, #tpu.memory_space<hbm>>
      %dma_wait3A_33 = tpu.memref_squeeze %dma_wait3A_32 : memref<1x16xf32, #tpu.memory_space<hbm>> -> memref<16xf32, #tpu.memory_space<hbm>>
      %dma_wait3A_34 = arith.constant 0 : i32
      %dma_wait3A_35 = tpu.memref_slice %arg4[%add3A, %dma_wait3A_34] : memref<32x16xf32, #tpu.memory_space<hbm>> -> memref<1x16xf32, #tpu.memory_space<hbm>>
      %dma_wait3A_36 = tpu.memref_squeeze %dma_wait3A_35 : memref<1x16xf32, #tpu.memory_space<hbm>> -> memref<16xf32, #tpu.memory_space<hbm>>
      tpu.wait_dma2 semaphore(%run_scoped3A : memref<!tpu.dma_semaphore, #tpu.memory_space<semaphore_mem>>) src(%arg8 : memref<16xf32, #tpu.memory_space<vmem>>) dst(%dma_wait3A_36 : memref<16xf32, #tpu.memory_space<hbm>>)
      tpu.yield
    }) : () -> ()
    return
  }
}

</mosaic_0001>

<sc_bundles>
// kernel: kernel.3.cloned.1.call-start
scs
__scs_entry_jumppad:
0x0: {  	(pc) =	sbr.rel $0x88, $3  }
0x1: {  	(tag) =	ssettag $0x0;
	lr =	simm.s32 $0x1  }
0x2: {  	[smem:$0x3F9F] =	sst lr;
	_ =	strace $0xD0000000  }
0x3: {  	_ = 	snop  }
0x4: {  	_ = 	snop  }
0x5: {  	_ = 	snop  }
0x6: {  	_ = 	snop  }
0x7: {  	_ = 	snop  }
__scs_overlays_trampoline_lowered:
0x8: {  	[smem:$0x3FAE] =	sst s0  }
0x9: {  	[smem:$0x3FAF] =	sst s1  }
0xa: {  	[smem:$0x3FB0] =	sst s2  }
0xb: {  	[smem:$0x3FB1] =	sst s3  }
0xc: {  	[smem:$0x3FB2] =	sst s4  }
0xd: {  	[smem:$0x3FB3] =	sst s5  }
0xe: {  	[smem:$0x3FB4] =	sst s6  }
0xf: {  	[smem:$0x3FB5] =	sst s7  }
0x10: {  	[smem:$0x3FB6] =	sst s8  }
0x11: {  	[smem:$0x3FB7] =	sst s9;
	s0 =	simm.s32 @!p0 $0x0  }
0x12: {  	s1 =	sld [smem:$0x3F9D];
	s0 =	simm.s32 @p0 $0x1  }
0x13: {  	[smem:$0x3FB8] =	sst s0;
	s0 =	simm.s32 @!p1 $0x0  }
0x14: {  	s2 =	sld [smem:$0x3F9C];
	s0 =	simm.s32 @p1 $0x1  }
0x15: {  	[smem:$0x3FB9] =	sst s0;
	s0 =	simm.s32 @!p2 $0x0  }
0x16: {  	s3 =	sld [smem:$0x3FDB];
	s0 =	simm.s32 @p2 $0x1  }
0x17: {  	s4 =	simm.s32 $0x1BF5;
	[smem:$0x3FBB] =	sst s0  }
0x18: {  	s0 =	sld [smem:$0x3F9E];
	_ =	swait.ge [sflag:s4], $0x0  }
0x19: {  	s7 =	sld [smem:$0x3F9F]  }
0x1a: {  	s8 =	sadd.s32 $0xFFFFE003, lr  }
0x1b: {  	s9 =	sadd.s32 $0xFFFFFEF7, lr;
	s5 =	simm.s32 $0xFFFFFFFF;
	p2 =	slt.u32 s8, $0xFFFFF086  }
0x1c: {  	p1 =	slt.u32 s9, $0xF7A;
	s5 =	simm.s32 @!p2 $0x0  }
0x1d: {  	s5 =	simm.s32 @p1 $0x1;
	p0 =	seq.s32 s7, s2  }
0x1e: {  	s7 =	smul.u32 @!p0 $0xF7A, s2;
	p2 =	seq.s32 @!p0 s5, $0x0  }
0x1f: {  	s9 =	smul.u32 $0xF7A, s1;
	s8 =	simm.s32 @!p0 $0x1BF5;
	p2 =	por !p2, p0  }
0x20: {  	[sflag:s8] =	ssyncset.s32 @!p0 $0xFFFFF086;
	s6 =	sadd.s32 @!p0 s3, s7;
	s7 =	simm.s32 @!p0 $0x108  }
0x21: {  	s3 =	sadd.s32 s3, s9;
	s6 =	sadd.s32 @!p0 $0x88, s6;
	s7 =	simm.s32 @p2 $0x1082  }
0x22: {  	[simem:s7], [sflag:s8] =	dma.local @!p0 [hbm:s6], $0xF7A  }
0x23: {  	s9 =	sor.u32 $0xD0000000, s2;
	s6 =	simm.s32 $0x108;
	_ =	swait.ge @!p0 [sflag:s8], $0x0  }
0x24: {  	s3 =	sadd.s32 $0x88, s3;
	s6 =	simm.s32 @!p1 $0x1082;
	[sflag:s4] =	ssyncset.s32 $0xFFFFF086  }
0x25: {  	[simem:s6], [sflag:s4] =	dma.local [hbm:s3], $0xF7A  }
0x26: {  	[smem:$0x3F9F] =	sst s1;
	(tag) =	ssettag s2;
	_ =	strace s9  }
0x27: {  	s1 =	sld [smem:$0x3FAF]  }
0x28: {  	s2 =	sld [smem:$0x3FB0]  }
0x29: {  	s4 =	sld [smem:$0x3FB2]  }
0x2a: {  	p0 =	seq.s32 s5, $0x0;
	s5 =	sld [smem:$0x3FB3]  }
0x2b: {  	s6 =	sld [smem:$0x3FB4]  }
0x2c: {  	s7 =	sld [smem:$0x3FB5]  }
0x2d: {  	s3 =	simm.s32 $0x108;
	s8 =	sld [smem:$0x3FB6]  }
0x2e: {  	s3 =	simm.s32 @!p0 $0x1082;
	s9 =	sld [smem:$0x3FB7]  }
0x2f: {  	lr =	sadd.s32 s0, s3;
	s0 =	sld [smem:$0x3FAE]  }
0x30: {  	s3 =	sld [smem:$0x3FB1]  }
0x31: {  	[smem:$0x3FBA] =	sst s10  }
0x32: {  	s10 =	sld [smem:$0x3FB8];
	_ =	sdelay $0x3  }
0x33: {  	p0 =	seq.s32 s10, $0x1;
	s10 =	sld [smem:$0x3FBA];
	_ =	sdelay $0x3  }
0x34: {  	[smem:$0x3FBA] =	sst s10  }
0x35: {  	s10 =	sld [smem:$0x3FB9];
	_ =	sdelay $0x3  }
0x36: {  	p1 =	seq.s32 s10, $0x1;
	s10 =	sld [smem:$0x3FBA];
	_ =	sdelay $0x3  }
0x37: {  	[smem:$0x3FBA] =	sst s10  }
0x38: {  	s10 =	sld [smem:$0x3FBB]  }
0x39: {  	_ = 	snop;
	(pc) =	sbr.ind lr, $3  }
0x3a: {  	_ = 	snop  }
0x3b: {  	_ = 	snop  }
0x3c: {  	p2 =	seq.s32 s10, $0x1;
	s10 =	sld [smem:$0x3FBA]  }
0x3d: {  	_ =	shalt  }
0x3e: {  	_ =	shalt  }
0x3f: {  	_ =	shalt  }
0x40: {  	_ =	shalt  }
0x41: {  	_ =	shalt  }
0x42: {  	_ =	shalt  }
0x43: {  	_ =	shalt  }
0x44: {  	_ =	shalt  }
0x45: {  	_ =	shalt  }
0x46: {  	_ =	shalt  }
0x47: {  	_ =	shalt  }
0x48: {  	_ =	shalt  }
0x49: {  	_ =	shalt  }
0x4a: {  	_ =	shalt  }
0x4b: {  	_ =	shalt  }
0x4c: {  	_ =	shalt  }
0x4d: {  	_ =	shalt  }
0x4e: {  	_ =	shalt  }
0x4f: {  	_ =	shalt  }
0x50: {  	_ =	shalt  }
0x51: {  	_ =	shalt  }
0x52: {  	_ =	shalt  }
0x53: {  	_ =	shalt  }
0x54: {  	_ =	shalt  }
0x55: {  	_ =	shalt  }
0x56: {  	_ =	shalt  }
0x57: {  	_ =	shalt  }
0x58: {  	_ =	shalt  }
0x59: {  	_ =	shalt  }
0x5a: {  	_ =	shalt  }
0x5b: {  	_ =	shalt  }
0x5c: {  	_ =	shalt  }
0x5d: {  	_ =	shalt  }
0x5e: {  	_ =	shalt  }
0x5f: {  	_ =	shalt  }
0x60: {  	_ =	shalt  }
0x61: {  	_ =	shalt  }
0x62: {  	_ =	shalt  }
0x63: {  	_ =	shalt  }
0x64: {  	_ =	shalt  }
0x65: {  	_ =	shalt  }
0x66: {  	_ =	shalt  }
0x67: {  	_ =	shalt  }
0x68: {  	_ =	shalt  }
0x69: {  	_ =	shalt  }
0x6a: {  	_ =	shalt  }
0x6b: {  	_ =	shalt  }
0x6c: {  	_ =	shalt  }
0x6d: {  	_ =	shalt  }
0x6e: {  	_ =	shalt  }
0x6f: {  	_ =	shalt  }
0x70: {  	_ =	shalt  }
0x71: {  	_ =	shalt  }
0x72: {  	_ =	shalt  }
0x73: {  	_ =	shalt  }
0x74: {  	_ =	shalt  }
0x75: {  	_ =	shalt  }
0x76: {  	_ =	shalt  }
0x77: {  	_ =	shalt  }
0x78: {  	_ =	shalt  }
0x79: {  	_ =	shalt  }
0x7a: {  	_ =	shalt  }
0x7b: {  	_ =	shalt  }
0x7c: {  	_ =	shalt  }
0x7d: {  	_ =	shalt  }
0x7e: {  	_ =	shalt  }
0x7f: {  	_ =	shalt  }
0x80: {  	_ =	shalt  }
0x81: {  	_ =	shalt  }
0x82: {  	_ =	shalt  }
0x83: {  	_ =	shalt  }
0x84: {  	_ =	shalt  }
0x85: {  	_ =	shalt  }
0x86: {  	_ =	shalt  }
0x87: {  	_ =	shalt  }
.Lfunc_end0:
.L_simem_size_0:
called_computation_lowered:
.L_overlay_start_0:
0x88: {  	s2 =	sld [smem:$0x3FD9]  }
0x89: {  	s3 =	sld [smem:$0x3FFE];
	_ =	sdelay $0x1  }
0x8a: {  	s1 =	srdreg.scid  }
0x8b: {  	s0 =	sand.u32 $0x1, s1  }
0x8c: {  	s17 =	sshll.u32 s0, $0xA;
	s2 =	sadd.s32 s3, s2  }
0x8d: {  	s2 =	sadd.s32 s2, s17  }
0x8e: {  	[smem:$0x3FC6] =	sst s2  }
0x8f: {  	_ = 	snop  }
0x90: {  	s2 =	sld [smem:$0x3FC8];
	(tm) =	ssettm $0x1  }
0x91: {  	s18 =	sld [smem:$0x3FFB];
	_ =	sdelay $0x3  }
0x92: {  	_ =	strace s18  }
0x93: {  	s3 =	sld [smem:$0x3FFC];
	_ =	sdelay $0x3  }
0x94: {  	_ =	strace s3  }
0x95: {  	s3 =	sld [smem:$0x3FFD];
	_ =	sdelay $0x3  }
0x96: {  	_ =	strace s3  }
0x97: {  	_ =	strace $0x8FFFFFFF  }
0x98: {  	s19 =	sld [smem:$0x3FDB];
	_ =	sdelay $0x1  }
0x99: {  	s4 =	simm.s32 $_scs_section_size  }
0x9a: {  	s5 =	simm.s32 $_size__tile_overlayer_lowered;
	s6 =	simm.s32 $_tile_overlayer_lowered  }
0x9b: {  	s22 =	simm.s32 $0x1BFF;
	s21 =	sshll.u32 s6, $0x1;
	s3 =	sadd.s32 s4, s19  }
0x9c: {  	s7 =	simm.s32 $0x0;
	s20 =	sshll.u32 s5, $0x1;
	s5 =	sadd.s32 s21, s3  }
0x9d: {  	[timem:s7], [sflag:s22] =	dma.local [hbm:s5], s20  }
0x9e: {  	_ =	swait.ge [sflag:s22], s20  }
0x9f: {  	s4 =	ssub.s32 $0x0, s20;
	[sflag:s22] =	ssyncset.done $0x0  }
0xa0: {  	[sflag:s22] =	ssyncadd.s32 s4;
	_ =	sdelay $0x1  }
0xa1: {  	s23 =	simm.s32 $0x1B8B  }
0xa2: {  	_ =	swait.ge [sflag:s23], $0x1  }
0xa3: {  	[sflag:s23] =	ssyncset.done $0x0  }
0xa4: {  	s25 =	simm.s32 $0x1B8E;
	s24 =	sld [smem:$0x3FFE];
	[sflag:s23] =	ssyncadd.s32 $0xFFFFFFFF  }
0xa5: {  	s26 =	simm.s32 $execute0_lowered;
	[smem:$0x3FD2] =	sst s25  }
0xa6: {  	s5 =	sshll.u32 s26, $0x1;
	_ =	strace $0x80000046;
	[dreg:$0x1] =	wrdreg $0xFFFFFFFF  }
0xa7: {  	s28 =	simm.s32 $_size_execute0_lowered;
	s3 =	sadd.s32 s3, s5;
	[dreg:$0x0] =	wrdreg $0x0  }
0xa8: {  	s5 =	sshll.u32 s28, $0x1;
	[dreg:$0x2] =	wrdreg s3  }
0xa9: {  	[dreg:$0x3] =	wrdreg s5  }
0xaa: {  	[dreg:$0x4] =	wrdreg $0xC0  }
0xab: {  	_ =	task [dreg:s7], $0x5FFFF  }
0xac: {  	[dreg:$0x1] =	wrdreg $0xFFFFFFFF  }
0xad: {  	[dreg:$0x0] =	wrdreg $0x60  }
0xae: {  	[dreg:$0x2] =	wrdreg s24  }
0xaf: {  	[dreg:$0x3] =	wrdreg s2  }
0xb0: {  	[dreg:$0x4] =	wrdreg $0x9  }
0xb1: {  	_ =	task.clear_ibuf [dreg:s7], $0x5FFFF;
	_ =	strace $0x90000046  }
0xb2: {  	s29 =	simm.s32 $0x9;
	_ =	strace $0x80000048  }
0xb3: {  	_ =	swait.ge [sflag:s29], $0x1  }
0xb4: {  	[sflag:s29] =	ssyncadd.s32 $0xFFFFFFFF  }
0xb5: {  	_ =	strace $0x90000048  }
0xb6: {  	_ =	sfence  }
0xb7: {  	s30 =	sld [smem:$0x0];
	_ =	sdelay $0x2  }
0xb8: {  	s31 =	sshll.u32 s1, $0xD;
	s1 =	sshrl.u32 s1, $0x2  }
0xb9: {  	s3 =	sand.u32 $0x4000, s31;
	s1 =	sadd.s32 s1, s30  }
0xba: {  	s0 =	sor.u32 s3, s0;
	s1 =	sshll.u32 s1, $0x11  }
0xbb: {  	s0 =	sor.u32 s1, s0  }
0xbc: {  	s0 =	sadd.s32 $0x8F2B, s0  }
0xbd: {  	[sflag:s0] =	ssyncadd.remote.s32 $0x1  }
0xbe: {  	_ =	sfence.sel $0xFFFF  }
0xbf: {  	[dreg:$0x0] =	wrdreg $0xFFFFFFFF;
	(pc) =	sbr.abs _section_cstart, $3  }
0xc0: {  	[dreg:$0x1] =	wrdreg $0xFFFFFFFF  }
0xc1: {  	_ =	task.clear_ibuf [dreg:s7], $0x2FFFF;
	_ =	strace $0x9FFFFFFF  }
0xc2: {  	(tm) =	ssettm $0x7FFFFFFF  }
0xc3: {  	_ =	shalt  }
tec
execute0_lowered:
.L_overlay_start_1:
0x0: {  	(tag) =	ssettag $0x1  }
0x1: {  	s2 =	rddreg [dreg:$0x0]  }
0x2: {  	s3 =	rddreg [dreg:$0x1]  }
0x3: {  	s0 =	rddreg [dreg:$0x2];
	s5 =	srdreg.scid  }
0x4: {  	s1 =	stileid.u32;
	s4 =	simm.s32 $0x0;
	s11 =	simm.s32 $0xC380  }
0x5: {  	s12 =	simm.s32 $0x1;
	s13 =	simm.s32 $0xEA80;
	s14 =	simm.s32 $0x2  }
0x6: {  	s15 =	simm.s32 $0x3;
	s16 =	simm.s32 $0x4;
	s17 =	simm.s32 $0x11180  }
0x7: {  	s18 =	simm.s32 $0x0;
	s5 =	sand.u32 $0x1, s5;
	s6 =	sshll.u32 s1, $0x1  }
0x8: {  	[smem:$0x7FF] =	sst s4;
	p0 =	sgt.u32 s1, $0x9;
	s6 =	sor.u32 s5, s6  }
0x9: {  	_ =	strace $0x80000047;
	s5 =	ssub.s32 $0x2, s5;
	s7 =	smul.u32 $0x186, s6  }
.Ltmp0:
0xa: {  	s8 =	sshll.u32 s6, $0x4;
	s6 =	smin.u32 s6, $0x14;
	(pc) =	sbr.rel .LBB2_1-.Ltmp0, $4  }
0xb: {  	s30 =	sshrl.u32 s5, $0x1;
	s9 =	sadd.s32 s8, s2;
	s6 =	sadd.s32 s6, s7  }
0xc: {  	s10 =	ssub.s32 s5, s30;
	s9 =	sadd.s32 $0x1A00, s9;
	s31 =	sshll.u32 s6, $0x5  }
0xd: {  	s10 =	smax.u32 s10, $0x1;
	s7 =	sshll.u32 s6, $0x7;
	s5 =	sadd.s32 s3, s31  }
0xe: {  	s6 =	sadd.s32 $0x1380, s7;
	s7 =	sadd.s32 $0x2700, s7;
	s8 =	sadd.s32 $0x30C0, s5  }
.LBB2_10:
0xf: {  	v2 =	vadd.f32 v2, v3;
	_ =	sdelay $0x1  }
0x10: {  	v1 =	vadd.f32 v1, v2;
	_ =	sdelay $0x1  }
0x11: {  	v0 =	vadd.f32 v0, v1  }
.LBB2_11:
0x12: {  	s18 =	sadd.s32 $0x1, s18  }
0x13: {  	p1 =	sne.s32 s18, s10  }
.Ltmp1:
0x14: {  	[tilespmem:$0x11180] =	vst v0;
	(pc) =	sbr.rel @!p1 .LBB2_12-.Ltmp1, $4  }
0x15: {  	[hbm4b:s9+s4] =	stream.linear.scatter [tilespmem:s17], [sflag:$0x4], $0x80, $0x38;
	[tilespmem:$0x11200] =	vst v63  }
0x16: {  	_ =	swait.ge [sflag:s16], $0x80  }
0x17: {  	[sflag:s16] =	ssyncset.done $0x0  }
0x18: {  	[sflag:s16] =	ssyncadd.s32 $0xFFFFFF80  }
.LBB2_1:
0x19: {  	[tilespmem:s4], [sflag:$0x1] =	stream.linear.gather [hbm4b:s2+s4], $0xC380, $0x38;
	[tilespmem:$0x11200] =	vst v63  }
0x1a: {  	_ = 	snop  }
0x1b: {  	[tilespmem:s11], [sflag:$0x2] =	stream.linear.gather [hbm4b:s5+s4], $0x2700, $0x38;
	[tilespmem:$0x11200] =	vst v63  }
0x1c: {  	_ =	swait.ge [sflag:s12], $0xC380  }
0x1d: {  	v0 =	vimm.f32 $0.0e+00;
	[sflag:s12] =	ssyncset.done $0x0  }
0x1e: {  	v1 =	vimm.f32 $0.0e+00;
	v2 =	vimm.f32 $0.0e+00;
	v3 =	vimm.f32 $0.0e+00;
	s19 =	simm.s32 $0x0;
	[sflag:s12] =	ssyncadd.s32 $0xFFFF3C80  }
.LBB2_3:
0x1f: {  	s20 =	smul.u32 $0x2700, s19;
	_ =	sdelay $0x1  }
0x20: {  	s21 =	sadd.s32 s20, s6  }
0x21: {  	s21 =	sshrl.u32 s21, $0x2  }
0x22: {  	s21 =	sadd.s32 s3, s21  }
0x23: {  	[tilespmem:s13], [sflag:$0x3] =	stream.linear.gather [hbm4b:s21+s4], $0x2700, $0x38;
	[tilespmem:$0x11200] =	vst v63  }
0x24: {  	_ =	swait.ge [sflag:s14], $0x2700  }
0x25: {  	[sflag:s14] =	ssyncset.done $0x0  }
0x26: {  	s31 =	simm.s32 $0xC400;
	[sflag:s14] =	ssyncadd.s32 $0xFFFFD900  }
0x27: {  	v4 =	vld [tilespmem:s31+$0xFFFFFFC0]  }
0x28: {  	v5 =	vld [tilespmem:s31+$0x40]  }
0x29: {  	v6 =	vld [tilespmem:s31+$0xFFFFFFD0]  }
0x2a: {  	v7 =	vld [tilespmem:s31+$0x50]  }
0x2b: {  	v8 =	vld [tilespmem:s31+$0xFFFFFFE0]  }
0x2c: {  	v9 =	vld [tilespmem:s31+$0x60]  }
0x2d: {  	v10 =	vld [tilespmem:s31+$0xFFFFFFF0]  }
0x2e: {  	v11 =	vld [tilespmem:s31+$0x70]  }
0x2f: {  	v12 =	vld [tilespmem:s31+$0xFFFFFF80]  }
0x30: {  	v13 =	vld [tilespmem:s31+$0x0]  }
0x31: {  	v14 =	vld [tilespmem:s31+$0xFFFFFF90]  }
0x32: {  	v15 =	vld [tilespmem:s31+$0x10]  }
0x33: {  	v16 =	vld [tilespmem:s31+$0xFFFFFFA0]  }
0x34: {  	v17 =	vld [tilespmem:s31+$0x20]  }
0x35: {  	v18 =	vld [tilespmem:s31+$0xFFFFFFB0]  }
0x36: {  	v19 =	vld [tilespmem:s31+$0x30]  }
0x37: {  	v4 =	vld.idx.msk [tilespmem:v4+s4+$0x0], $0xffff  }
0x38: {  	v5 =	vld.idx.msk [tilespmem:v5+s4+$0x0], $0xffff  }
0x39: {  	v6 =	vld.idx.msk [tilespmem:v6+s4+$0x0], $0xffff  }
0x3a: {  	v7 =	vld.idx.msk [tilespmem:v7+s4+$0x0], $0xffff  }
0x3b: {  	v8 =	vld.idx.msk [tilespmem:v8+s4+$0x0], $0xffff  }
0x3c: {  	v9 =	vld.idx.msk [tilespmem:v9+s4+$0x0], $0xffff  }
0x3d: {  	v10 =	vld.idx.msk [tilespmem:v10+s4+$0x0], $0xffff  }
0x3e: {  	v11 =	vld.idx.msk [tilespmem:v11+s4+$0x0], $0xffff  }
0x3f: {  	v12 =	vld.idx.msk [tilespmem:v12+s4+$0x0], $0xffff  }
0x40: {  	v13 =	vld.idx.msk [tilespmem:v13+s4+$0x0], $0xffff;
	v20 =	vand.u32 $0xFFFF0000, v4;
	v4 =	vshll.u32 v4, $0x10  }
0x41: {  	v14 =	vld.idx.msk [tilespmem:v14+s4+$0x0], $0xffff;
	v21 =	vand.u32 $0xFFFF0000, v5;
	v5 =	vshll.u32 v5, $0x10;
	v22 =	vand.u32 $0xFFFF0000, v6  }
0x42: {  	v15 =	vld.idx.msk [tilespmem:v15+s4+$0x0], $0xffff;
	v6 =	vshll.u32 v6, $0x10;
	v23 =	vand.u32 $0xFFFF0000, v7;
	v7 =	vshll.u32 v7, $0x10  }
0x43: {  	v16 =	vld.idx.msk [tilespmem:v16+s4+$0x0], $0xffff;
	v24 =	vand.u32 $0xFFFF0000, v8;
	v8 =	vshll.u32 v8, $0x10;
	v25 =	vand.u32 $0xFFFF0000, v9  }
0x44: {  	v17 =	vld.idx.msk [tilespmem:v17+s4+$0x0], $0xffff;
	v9 =	vshll.u32 v9, $0x10;
	v26 =	vand.u32 $0xFFFF0000, v10;
	v10 =	vshll.u32 v10, $0x10  }
0x45: {  	v18 =	vld.idx.msk [tilespmem:v18+s4+$0x0], $0xffff;
	v27 =	vand.u32 $0xFFFF0000, v11;
	v11 =	vshll.u32 v11, $0x10;
	v28 =	vand.u32 $0xFFFF0000, v12  }
0x46: {  	v12 =	vshll.u32 v12, $0x10;
	v29 =	vand.u32 $0xFFFF0000, v13;
	v13 =	vshll.u32 v13, $0x10  }
0x47: {  	v19 =	vld.idx.msk [tilespmem:v19+s4+$0x0], $0xffff;
	v30 =	vand.u32 $0xFFFF0000, v14;
	v14 =	vshll.u32 v14, $0x10;
	v31 =	vand.u32 $0xFFFF0000, v15  }
0x48: {  	v15 =	vshll.u32 v15, $0x10;
	v57 =	vand.u32 $0xFFFF0000, v16;
	v16 =	vshll.u32 v16, $0x10  }
0x49: {  	v58 =	vand.u32 $0xFFFF0000, v17;
	v17 =	vshll.u32 v17, $0x10;
	v20 =	vsub.f32 v21, v20  }
0x4a: {  	v59 =	vand.u32 $0xFFFF0000, v18;
	v4 =	vsub.f32 v5, v4;
	v5 =	vsub.f32 v23, v22  }
0x4b: {  	v18 =	vshll.u32 v18, $0x10;
	v6 =	vsub.f32 v7, v6;
	v7 =	vsub.f32 v25, v24  }
0x4c: {  	v60 =	vand.u32 $0xFFFF0000, v19;
	v8 =	vsub.f32 v9, v8;
	v9 =	vsub.f32 v27, v26  }
0x4d: {  	v19 =	vshll.u32 v19, $0x10;
	v61 =	vsub.f32 v29, v28;
	v10 =	vsub.f32 v11, v10  }
0x4e: {  	v11 =	vsub.f32 v13, v12;
	v20 =	vmul.f32 v20, v20;
	v4 =	vmul.f32 v4, v4  }
0x4f: {  	v12 =	vsub.f32 v31, v30;
	v62 =	vmul.f32 v5, v5;
	v63 =	vmul.f32 v6, v6  }
0x50: {  	v5 =	vsub.f32 v15, v14;
	v6 =	vmul.f32 v7, v7;
	v7 =	vmul.f32 v8, v8  }
0x51: {  	v14 =	vsub.f32 v58, v57;
	v8 =	vmul.f32 v9, v9;
	v9 =	vmul.f32 v10, v10  }
0x52: {  	v10 =	vmul.f32 v61, v61;
	v11 =	vmul.f32 v11, v11;
	v15 =	vsub.f32 v17, v16  }
0x53: {  	v12 =	vmul.f32 v12, v12;
	v13 =	vmul.f32 v5, v5;
	v5 =	vsub.f32 v60, v59  }
0x54: {  	v17 =	vsub.f32 v19, v18;
	v14 =	vmul.f32 v14, v14;
	v15 =	vmul.f32 v15, v15  }
0x55: {  	s22 =	simm.s32 $0xC500;
	s21 =	simm.s32 $0x0;
	v16 =	vmul.f32 v5, v5;
	v5 =	vadd.f32 v4, v20;
	v4 =	vadd.f32 v63, v62  }
.LBB2_4:
0x56: {  	v18 =	vld [tilespmem:s22+$0xFFFFFFC0];
	v17 =	vmul.f32 v17, v17;
	v19 =	vadd.f32 v7, v6;
	v8 =	vadd.f32 v9, v8  }
0x57: {  	v9 =	vadd.f32 v11, v10;
	v10 =	vadd.f32 v13, v12  }
0x58: {  	v11 =	vadd.f32 v15, v14;
	v12 =	vadd.f32 v17, v16  }
0x59: {  	v6 =	vshra.s32 v5, $0x1;
	v7 =	vmul.f32 $5.000000000e-01, v5;
	v13 =	vshra.s32 v4, $0x1  }
0x5a: {  	v14 =	vmul.f32 $5.000000000e-01, v4;
	v15 =	vshra.s32 v19, $0x1;
	v16 =	vmul.f32 $5.000000000e-01, v19  }
0x5b: {  	v17 =	vshra.s32 v9, $0x1;
	v20 =	vshra.s32 v8, $0x1;
	v21 =	vmul.f32 $5.000000000e-01, v8  }
0x5c: {  	v22 =	vmul.f32 $5.000000000e-01, v9;
	v23 =	vshra.s32 v10, $0x1;
	v24 =	vmul.f32 $5.000000000e-01, v10  }
0x5d: {  	v26 =	vshra.s32 v11, $0x1;
	v27 =	vmul.f32 $5.000000000e-01, v11;
	v28 =	vshra.s32 v12, $0x1;
	v25 =	vld [tilespmem:s22+$0x40]  }
0x5e: {  	v30 =	vsub.s32 $0x5F375A86, v6;
	v13 =	vsub.s32 $0x5F375A86, v13;
	v29 =	vmul.f32 $5.000000000e-01, v12;
	v18 =	vld.idx.msk [tilespmem:v18+s4+$0x0], $0xffff  }
0x5f: {  	v17 =	vsub.s32 $0x5F375A86, v17;
	v15 =	vsub.s32 $0x5F375A86, v15;
	v20 =	vsub.s32 $0x5F375A86, v20  }
0x60: {  	v23 =	vsub.s32 $0x5F375A86, v23;
	v7 =	vmul.f32 v30, v7;
	v14 =	vmul.f32 v13, v14;
	v31 =	vld [tilespmem:s22+$0xFFFFFFD0]  }
0x61: {  	v26 =	vsub.s32 $0x5F375A86, v26;
	v16 =	vmul.f32 v15, v16;
	v21 =	vmul.f32 v20, v21;
	v32 =	vld [tilespmem:s22+$0x50]  }
0x62: {  	v22 =	vmul.f32 v17, v22;
	v24 =	vmul.f32 v23, v24;
	v28 =	vsub.s32 $0x5F375A86, v28;
	v33 =	vld [tilespmem:s22+$0xFFFFFFE0]  }
0x63: {  	v27 =	vmul.f32 v26, v27;
	v29 =	vmul.f32 v28, v29;
	v34 =	vld [tilespmem:s22+$0x60]  }
0x64: {  	v36 =	vmul.f32 v30, v7;
	v14 =	vmul.f32 v13, v14;
	v6 =	vand.u32 $0xFFFF0000, v18;
	v35 =	vld [tilespmem:s22+$0xFFFFFFF0]  }
0x65: {  	v16 =	vmul.f32 v15, v16;
	v21 =	vmul.f32 v20, v21;
	v7 =	vshll.u32 v18, $0x10;
	v18 =	vld [tilespmem:s22+$0x70]  }
0x66: {  	v22 =	vmul.f32 v17, v22;
	v24 =	vmul.f32 v23, v24;
	v36 =	vsub.f32 $1.500000000e+00, v36;
	v25 =	vld.idx.msk [tilespmem:v25+s4+$0x0], $0xffff  }
0x67: {  	v27 =	vmul.f32 v26, v27;
	v14 =	vsub.f32 $1.500000000e+00, v14;
	v16 =	vsub.f32 $1.500000000e+00, v16;
	v37 =	vld [tilespmem:s22+$0xFFFFFF80]  }
0x68: {  	v22 =	vsub.f32 $1.500000000e+00, v22;
	v29 =	vmul.f32 v28, v29;
	v21 =	vsub.f32 $1.500000000e+00, v21;
	v38 =	vld [tilespmem:s22+$0x0]  }
0x69: {  	v24 =	vsub.f32 $1.500000000e+00, v24;
	v30 =	vmul.f32 v30, v36;
	v13 =	vmul.f32 v13, v14;
	v39 =	vld [tilespmem:s22+$0xFFFFFF90]  }
0x6a: {  	v27 =	vsub.f32 $1.500000000e+00, v27;
	v15 =	vmul.f32 v15, v16;
	v16 =	vmul.f32 v20, v21;
	v14 =	vld [tilespmem:s22+$0x10]  }
0x6b: {  	v17 =	vmul.f32 v17, v22;
	v21 =	vmul.f32 v23, v24;
	v22 =	vsub.f32 $1.500000000e+00, v29;
	v20 =	vld [tilespmem:s22+$0xFFFFFFA0]  }
0x6c: {  	v26 =	vmul.f32 v26, v27;
	v5 =	vmul.f32 v30, v5;
	v24 =	vand.u32 $0xFFFF0000, v25;
	v23 =	vld [tilespmem:s22+$0x20]  }
0x6d: {  	v4 =	vmul.f32 v13, v4;
	v22 =	vmul.f32 v28, v22;
	v25 =	vshll.u32 v25, $0x10;
	v27 =	vld [tilespmem:s22+$0xFFFFFFB0]  }
0x6e: {  	v9 =	vmul.f32 v17, v9;
	v15 =	vmul.f32 v15, v19;
	v5 =	vsub.f32 $0.0e+00, v5;
	v13 =	vld [tilespmem:s22+$0x30]  }
0x6f: {  	v10 =	vmul.f32 v21, v10;
	v8 =	vmul.f32 v16, v8;
	v4 =	vsub.f32 $0.0e+00, v4;
	v17 =	vld.idx.msk [tilespmem:v31+s4+$0x0], $0xffff  }
0x70: {  	v11 =	vmul.f32 v26, v11;
	v9 =	vsub.f32 $0.0e+00, v9;
	v5 =	vmul.f32 $1.442695020e+00, v5;
	v16 =	vld.idx.msk [tilespmem:v32+s4+$0x0], $0xffff  }
0x71: {  	v10 =	vsub.f32 $0.0e+00, v10;
	v12 =	vmul.f32 v22, v12;
	v4 =	vmul.f32 $1.442695020e+00, v4;
	v19 =	vld.idx.msk [tilespmem:v33+s4+$0x0], $0xffff  }
0x72: {  	v11 =	vsub.f32 $0.0e+00, v11;
	v9 =	vmul.f32 $1.442695020e+00, v9;
	v21 =	vld.idx.msk [tilespmem:v34+s4+$0x0], $0xffff;
	(erf) = vpow2.f32 v5  }
0x73: {  	v10 =	vmul.f32 $1.442695020e+00, v10;
	v12 =	vsub.f32 $0.0e+00, v12;
	v5 =	vld.idx.msk [tilespmem:v35+s4+$0x0], $0xffff;
	(erf) = vpow2.f32 v4  }
0x74: {  	v15 =	vsub.f32 $0.0e+00, v15;
	v11 =	vmul.f32 $1.442695020e+00, v11;
	v4 =	vld.idx.msk [tilespmem:v18+s4+$0x0], $0xffff;
	(erf) = vpow2.f32 v9  }
0x75: {  	v8 =	vsub.f32 $0.0e+00, v8;
	v12 =	vmul.f32 $1.442695020e+00, v12;
	v9 =	vld.idx.msk [tilespmem:v37+s4+$0x0], $0xffff;
	(erf) = vpow2.f32 v10  }
0x76: {  	v15 =	vmul.f32 $1.442695020e+00, v15;
	v18 =	vand.u32 $0xFFFF0000, v17;
	v10 =	vld.idx.msk [tilespmem:v38+s4+$0x0], $0xffff;
	(erf) = vpow2.f32 v11  }
0x77: {  	v8 =	vmul.f32 $1.442695020e+00, v8;
	v17 =	vshll.u32 v17, $0x10;
	v11 =	vld.idx.msk [tilespmem:v39+s4+$0x0], $0xffff;
	(erf) = vpow2.f32 v12  }
0x78: {  	v12 =	vld.idx.msk [tilespmem:v14+s4+$0x0], $0xffff;
	v14 =	vand.u32 $0xFFFF0000, v16;
	v16 =	vshll.u32 v16, $0x10;
	(erf) = vpow2.f32 v15  }
0x79: {  	v15 =	vld.idx.msk [tilespmem:v20+s4+$0x0], $0xffff;
	v20 =	vand.u32 $0xFFFF0000, v19;
	v19 =	vshll.u32 v19, $0x10;
	(erf) = vpow2.f32 v8  }
0x7a: {  	v22 =	vand.u32 $0xFFFF0000, v5;
	v8 =	vand.u32 $0xFFFF0000, v21;
	v21 =	vshll.u32 v21, $0x10  }
0x7b: {  	v5 =	vshll.u32 v5, $0x10;
	v26 =	vand.u32 $0xFFFF0000, v4;
	v4 =	vshll.u32 v4, $0x10;
	v23 =	vld.idx.msk [tilespmem:v23+s4+$0x0], $0xffff;
	v28 =	vpop (erf)  }
0x7c: {  	v29 =	vand.u32 $0xFFFF0000, v9;
	v9 =	vshll.u32 v9, $0x10;
	v30 =	vand.u32 $0xFFFF0000, v10;
	v31 =	vpop (erf)  }
0x7d: {  	v10 =	vshll.u32 v10, $0x10;
	v32 =	vand.u32 $0xFFFF0000, v11;
	v11 =	vshll.u32 v11, $0x10;
	v27 =	vld.idx.msk [tilespmem:v27+s4+$0x0], $0xffff;
	v33 =	vpop (erf)  }
0x7e: {  	v6 =	vsub.f32 v24, v6;
	v34 =	vand.u32 $0xFFFF0000, v12;
	v12 =	vshll.u32 v12, $0x10;
	v24 =	vpop (erf)  }
0x7f: {  	v7 =	vsub.f32 v25, v7;
	v14 =	vsub.f32 v14, v18;
	v35 =	vand.u32 $0xFFFF0000, v15;
	v13 =	vld.idx.msk [tilespmem:v13+s4+$0x0], $0xffff;
	v18 =	vpop (erf)  }
0x80: {  	v15 =	vshll.u32 v15, $0x10;
	v3 =	vadd.f32 v33, v3;
	v2 =	vadd.f32 v24, v2;
	v24 =	vpop (erf)  }
0x81: {  	v25 =	vand.u32 $0xFFFF0000, v23;
	v1 =	vadd.f32 v18, v1;
	v0 =	vadd.f32 v24, v0;
	v18 =	vpop (erf)  }
0x82: {  	v23 =	vshll.u32 v23, $0x10;
	v3 =	vadd.f32 v28, v3;
	v2 =	vadd.f32 v31, v2;
	v24 =	vpop (erf)  }
0x83: {  	v28 =	vand.u32 $0xFFFF0000, v27;
	v1 =	vadd.f32 v18, v1;
	v0 =	vadd.f32 v24, v0  }
0x84: {  	v16 =	vsub.f32 v16, v17;
	v8 =	vsub.f32 v8, v20;
	v18 =	vshll.u32 v27, $0x10  }
0x85: {  	v19 =	vsub.f32 v21, v19;
	v20 =	vsub.f32 v26, v22;
	v17 =	vand.u32 $0xFFFF0000, v13  }
0x86: {  	v4 =	vsub.f32 v4, v5;
	v21 =	vsub.f32 v30, v29;
	v22 =	vshll.u32 v13, $0x10  }
0x87: {  	v26 =	vmul.f32 v7, v7;
	v5 =	vsub.f32 v10, v9;
	v24 =	vmul.f32 v6, v6  }
0x88: {  	s21 =	sadd.s32 $0x80, s21;
	v29 =	vmul.f32 v16, v16;
	v27 =	vmul.f32 v14, v14;
	v13 =	vsub.f32 v34, v32  }
0x89: {  	p1 =	slt.u32 s21, $0x1300;
	v7 =	vmul.f32 v19, v19;
	v14 =	vsub.f32 v12, v11;
	v6 =	vmul.f32 v8, v8  }
.Ltmp2:
0x8a: {  	v9 =	vmul.f32 v4, v4;
	v16 =	vsub.f32 v25, v35;
	v8 =	vmul.f32 v20, v20;
	(pc) =	sbr.rel @p1 .LBB2_4-.Ltmp2, $4  }
0x8b: {  	v10 =	vmul.f32 v21, v21;
	v4 =	vsub.f32 v23, v15;
	v11 =	vmul.f32 v5, v5  }
0x8c: {  	v5 =	vsub.f32 v17, v28;
	v12 =	vmul.f32 v13, v13;
	v13 =	vmul.f32 v14, v14  }
0x8d: {  	v15 =	vmul.f32 v4, v4;
	v17 =	vsub.f32 v22, v18;
	v14 =	vmul.f32 v16, v16  }
0x8e: {  	s22 =	sadd.s32 $0x100, s22;
	v4 =	vadd.f32 v29, v27;
	v16 =	vmul.f32 v5, v5;
	v5 =	vadd.f32 v26, v24  }
0x8f: {  	v6 =	vadd.f32 v7, v6  }
0x90: {  	v7 =	vadd.f32 v9, v8;
	v8 =	vadd.f32 v11, v10  }
0x91: {  	v17 =	vmul.f32 v17, v17;
	v9 =	vadd.f32 v13, v12;
	v10 =	vadd.f32 v15, v14  }
0x92: {  	v12 =	vshra.s32 v5, $0x1;
	v13 =	vmul.f32 $5.000000000e-01, v5;
	v14 =	vshra.s32 v4, $0x1  }
0x93: {  	v15 =	vmul.f32 $5.000000000e-01, v4;
	v11 =	vadd.f32 v17, v16;
	v16 =	vshra.s32 v6, $0x1  }
0x94: {  	v17 =	vmul.f32 $5.000000000e-01, v6;
	v18 =	vshra.s32 v8, $0x1;
	v19 =	vshra.s32 v7, $0x1  }
0x95: {  	v20 =	vmul.f32 $5.000000000e-01, v7;
	v21 =	vmul.f32 $5.000000000e-01, v8;
	v22 =	vshra.s32 v9, $0x1  }
0x96: {  	v23 =	vmul.f32 $5.000000000e-01, v9;
	v24 =	vshra.s32 v10, $0x1;
	v25 =	vmul.f32 $5.000000000e-01, v10  }
0x97: {  	v12 =	vsub.s32 $0x5F375A86, v12;
	v14 =	vsub.s32 $0x5F375A86, v14;
	v18 =	vsub.s32 $0x5F375A86, v18  }
0x98: {  	v16 =	vsub.s32 $0x5F375A86, v16;
	v19 =	vsub.s32 $0x5F375A86, v19;
	v13 =	vmul.f32 v12, v13  }
0x99: {  	v22 =	vsub.s32 $0x5F375A86, v22;
	v15 =	vmul.f32 v14, v15;
	v27 =	vmul.f32 $5.000000000e-01, v11  }
0x9a: {  	v24 =	vsub.s32 $0x5F375A86, v24;
	v17 =	vmul.f32 v16, v17;
	v20 =	vmul.f32 v19, v20  }
0x9b: {  	v26 =	vshra.s32 v11, $0x1;
	v21 =	vmul.f32 v18, v21;
	v23 =	vmul.f32 v22, v23  }
0x9c: {  	v25 =	vmul.f32 v24, v25;
	v26 =	vsub.s32 $0x5F375A86, v26;
	v13 =	vmul.f32 v12, v13  }
0x9d: {  	v15 =	vmul.f32 v14, v15;
	v27 =	vmul.f32 v26, v27  }
0x9e: {  	v17 =	vmul.f32 v16, v17;
	v20 =	vmul.f32 v19, v20  }
0x9f: {  	v21 =	vmul.f32 v18, v21;
	v23 =	vmul.f32 v22, v23;
	v13 =	vsub.f32 $1.500000000e+00, v13  }
0xa0: {  	v25 =	vmul.f32 v24, v25;
	v15 =	vsub.f32 $1.500000000e+00, v15;
	v17 =	vsub.f32 $1.500000000e+00, v17  }
0xa1: {  	v21 =	vsub.f32 $1.500000000e+00, v21;
	v27 =	vmul.f32 v26, v27;
	v20 =	vsub.f32 $1.500000000e+00, v20  }
0xa2: {  	v23 =	vsub.f32 $1.500000000e+00, v23;
	v12 =	vmul.f32 v12, v13;
	v13 =	vmul.f32 v14, v15  }
0xa3: {  	v14 =	vsub.f32 $1.500000000e+00, v25;
	v15 =	vmul.f32 v16, v17;
	v16 =	vmul.f32 v19, v20  }
0xa4: {  	v17 =	vmul.f32 v18, v21;
	v18 =	vmul.f32 v22, v23;
	v19 =	vsub.f32 $1.500000000e+00, v27  }
0xa5: {  	v14 =	vmul.f32 v24, v14;
	v5 =	vmul.f32 v12, v5  }
0xa6: {  	v4 =	vmul.f32 v13, v4;
	v12 =	vmul.f32 v26, v19  }
0xa7: {  	v8 =	vmul.f32 v17, v8;
	v6 =	vmul.f32 v15, v6;
	v5 =	vsub.f32 $0.0e+00, v5  }
0xa8: {  	v9 =	vmul.f32 v18, v9;
	v7 =	vmul.f32 v16, v7;
	v4 =	vsub.f32 $0.0e+00, v4  }
0xa9: {  	v10 =	vmul.f32 v14, v10;
	v8 =	vsub.f32 $0.0e+00, v8;
	v5 =	vmul.f32 $1.442695020e+00, v5  }
0xaa: {  	v9 =	vsub.f32 $0.0e+00, v9;
	v11 =	vmul.f32 v12, v11;
	v4 =	vmul.f32 $1.442695020e+00, v4  }
0xab: {  	v10 =	vsub.f32 $0.0e+00, v10;
	v8 =	vmul.f32 $1.442695020e+00, v8;
	(erf) = vpow2.f32 v5  }
0xac: {  	v5 =	vmul.f32 $1.442695020e+00, v9;
	v9 =	vsub.f32 $0.0e+00, v11;
	(erf) = vpow2.f32 v4  }
0xad: {  	v6 =	vsub.f32 $0.0e+00, v6;
	v4 =	vmul.f32 $1.442695020e+00, v10;
	(erf) = vpow2.f32 v8  }
0xae: {  	v7 =	vsub.f32 $0.0e+00, v7;
	v8 =	vmul.f32 $1.442695020e+00, v9;
	(erf) = vpow2.f32 v5  }
0xaf: {  	v5 =	vmul.f32 $1.442695020e+00, v6;
	(erf) = vpow2.f32 v4  }
0xb0: {  	v4 =	vmul.f32 $1.442695020e+00, v7;
	(erf) = vpow2.f32 v8  }
0xb1: {  	(erf) = vpow2.f32 v5  }
0xb2: {  	(erf) = vpow2.f32 v4;
	_ =	sdelay $0x1  }
0xb3: {  	v4 =	vpop (erf)  }
0xb4: {  	v5 =	vpop (erf)  }
0xb5: {  	v6 =	vpop (erf)  }
0xb6: {  	p1 =	seq.s32 s19, $0x4;
	v7 =	vpop (erf)  }
0xb7: {  	s20 =	sadd.s32 @!p1 s20, s7;
	v8 =	vpop (erf)  }
0xb8: {  	s20 =	sshrl.u32 @!p1 s20, $0x2;
	v9 =	vpop (erf)  }
0xb9: {  	s21 =	simm.s32 @!p1 $0x0;
	s22 =	simm.s32 @!p1 $0xC380;
	s20 =	sadd.s32 @!p1 s3, s20;
	v10 =	vpop (erf)  }
0xba: {  	[tilespmem:s22], [sflag:$0x2] =	stream.linear.gather @!p1 [hbm4b:s20+s21], $0x2700, $0x38;
	v11 =	vpop (erf);
	[tilespmem:$0x11200] =	vst v63  }
0xbb: {  	_ =	swait.ge [sflag:s15], $0x2700  }
0xbc: {  	[sflag:s15] =	ssyncset.done $0x0  }
0xbd: {  	s31 =	simm.s32 $0xEB00;
	[sflag:s15] =	ssyncadd.s32 $0xFFFFD900  }
0xbe: {  	v12 =	vld [tilespmem:s31+$0xFFFFFFC0]  }
0xbf: {  	v13 =	vld [tilespmem:s31+$0x40]  }
0xc0: {  	v14 =	vld [tilespmem:s31+$0xFFFFFFD0]  }
0xc1: {  	v15 =	vld [tilespmem:s31+$0x50]  }
0xc2: {  	v16 =	vld [tilespmem:s31+$0xFFFFFFE0]  }
0xc3: {  	v17 =	vld [tilespmem:s31+$0x60]  }
0xc4: {  	v18 =	vld [tilespmem:s31+$0xFFFFFFF0]  }
0xc5: {  	v19 =	vld [tilespmem:s31+$0x70]  }
0xc6: {  	v39 =	vld [tilespmem:s31+$0xFFFFFF80]  }
0xc7: {  	v40 =	vld [tilespmem:s31+$0x0]  }
0xc8: {  	v41 =	vld [tilespmem:s31+$0xFFFFFF90]  }
0xc9: {  	v42 =	vld [tilespmem:s31+$0x10]  }
0xca: {  	v43 =	vld [tilespmem:s31+$0xFFFFFFA0]  }
0xcb: {  	v44 =	vld [tilespmem:s31+$0x20]  }
0xcc: {  	v45 =	vld [tilespmem:s31+$0xFFFFFFB0]  }
0xcd: {  	v46 =	vld [tilespmem:s31+$0x30]  }
0xce: {  	v12 =	vld.idx.msk [tilespmem:v12+s4+$0x0], $0xffff  }
0xcf: {  	v13 =	vld.idx.msk [tilespmem:v13+s4+$0x0], $0xffff  }
0xd0: {  	v14 =	vld.idx.msk [tilespmem:v14+s4+$0x0], $0xffff  }
0xd1: {  	v15 =	vld.idx.msk [tilespmem:v15+s4+$0x0], $0xffff  }
0xd2: {  	v16 =	vld.idx.msk [tilespmem:v16+s4+$0x0], $0xffff  }
0xd3: {  	v3 =	vadd.f32 v6, v3;
	v6 =	vld.idx.msk [tilespmem:v17+s4+$0x0], $0xffff  }
0xd4: {  	v2 =	vadd.f32 v7, v2;
	v1 =	vadd.f32 v8, v1;
	v7 =	vld.idx.msk [tilespmem:v18+s4+$0x0], $0xffff  }
0xd5: {  	v8 =	vadd.f32 v9, v0;
	v0 =	vadd.f32 v4, v3;
	v4 =	vld.idx.msk [tilespmem:v19+s4+$0x0], $0xffff  }
0xd6: {  	v2 =	vadd.f32 v5, v2;
	v5 =	vld.idx.msk [tilespmem:v39+s4+$0x0], $0xffff  }
0xd7: {  	v1 =	vadd.f32 v10, v1;
	v10 =	vld.idx.msk [tilespmem:v40+s4+$0x0], $0xffff  }
0xd8: {  	v3 =	vadd.f32 v11, v8;
	v17 =	vld.idx.msk [tilespmem:v41+s4+$0x0], $0xffff;
	v8 =	vand.u32 $0xFFFF0000, v12;
	v9 =	vshll.u32 v12, $0x10  }
0xd9: {  	v18 =	vld.idx.msk [tilespmem:v42+s4+$0x0], $0xffff;
	v11 =	vand.u32 $0xFFFF0000, v13;
	v12 =	vshll.u32 v13, $0x10;
	v13 =	vand.u32 $0xFFFF0000, v14  }
0xda: {  	v51 =	vld.idx.msk [tilespmem:v44+s4+$0x0], $0xffff;
	v14 =	vshll.u32 v14, $0x10;
	v19 =	vand.u32 $0xFFFF0000, v15;
	v15 =	vshll.u32 v15, $0x10  }
0xdb: {  	v26 =	vld.idx.msk [tilespmem:v45+s4+$0x0], $0xffff;
	v48 =	vand.u32 $0xFFFF0000, v16;
	v16 =	vshll.u32 v16, $0x10;
	v49 =	vand.u32 $0xFFFF0000, v6  }
0xdc: {  	v27 =	vld.idx.msk [tilespmem:v46+s4+$0x0], $0xffff;
	v6 =	vshll.u32 v6, $0x10;
	v50 =	vand.u32 $0xFFFF0000, v7;
	v7 =	vshll.u32 v7, $0x10  }
0xdd: {  	v52 =	vand.u32 $0xFFFF0000, v4;
	v4 =	vshll.u32 v4, $0x10;
	v28 =	vand.u32 $0xFFFF0000, v5  }
0xde: {  	v47 =	vld.idx.msk [tilespmem:v43+s4+$0x0], $0xffff;
	v5 =	vshll.u32 v5, $0x10;
	v29 =	vand.u32 $0xFFFF0000, v10;
	v10 =	vshll.u32 v10, $0x10  }
0xdf: {  	v30 =	vand.u32 $0xFFFF0000, v17;
	v17 =	vshll.u32 v17, $0x10;
	v31 =	vand.u32 $0xFFFF0000, v18  }
0xe0: {  	v18 =	vshll.u32 v18, $0x10;
	v53 =	vshll.u32 v51, $0x10;
	v54 =	vand.u32 $0xFFFF0000, v26  }
0xe1: {  	v26 =	vshll.u32 v26, $0x10;
	v55 =	vand.u32 $0xFFFF0000, v27;
	v8 =	vsub.f32 v11, v8  }
0xe2: {  	v58 =	vshll.u32 v27, $0x10;
	v9 =	vsub.f32 v12, v9;
	v12 =	vsub.f32 v19, v13  }
0xe3: {  	v11 =	vand.u32 $0xFFFF0000, v47;
	v14 =	vsub.f32 v15, v14;
	v15 =	vsub.f32 v49, v48  }
0xe4: {  	v13 =	vshll.u32 v47, $0x10;
	v16 =	vsub.f32 v6, v16;
	v56 =	vsub.f32 v52, v50  }
0xe5: {  	v19 =	vand.u32 $0xFFFF0000, v51;
	v57 =	vsub.f32 v29, v28;
	v4 =	vsub.f32 v4, v7  }
0xe6: {  	v5 =	vsub.f32 v10, v5;
	v59 =	vmul.f32 v8, v8;
	v60 =	vmul.f32 v9, v9  }
0xe7: {  	v61 =	vsub.f32 v31, v30;
	v62 =	vmul.f32 v12, v12;
	v63 =	vmul.f32 v14, v14  }
0xe8: {  	v14 =	vsub.f32 v18, v17;
	v6 =	vmul.f32 v15, v15;
	v7 =	vmul.f32 v16, v16  }
0xe9: {  	v15 =	vsub.f32 v19, v11;
	v8 =	vmul.f32 v56, v56;
	v9 =	vmul.f32 v4, v4  }
0xea: {  	v10 =	vmul.f32 v57, v57;
	v11 =	vmul.f32 v5, v5;
	v4 =	vsub.f32 v53, v13  }
0xeb: {  	v12 =	vmul.f32 v61, v61;
	v5 =	vsub.f32 v55, v54;
	v13 =	vmul.f32 v14, v14  }
0xec: {  	v17 =	vsub.f32 v58, v26;
	v14 =	vmul.f32 v15, v15;
	v15 =	vmul.f32 v4, v4  }
0xed: {  	s19 =	sadd.s32 $0x1, s19;
	s20 =	simm.s32 $0x0;
	s21 =	simm.s32 $0xEC00;
	v16 =	vmul.f32 v5, v5;
	v5 =	vadd.f32 v60, v59;
	v4 =	vadd.f32 v63, v62  }
.LBB2_6:
0xee: {  	v18 =	vld [tilespmem:s21+$0xFFFFFFC0];
	v17 =	vmul.f32 v17, v17;
	v19 =	vadd.f32 v7, v6;
	v8 =	vadd.f32 v9, v8  }
0xef: {  	v9 =	vadd.f32 v11, v10;
	v10 =	vadd.f32 v13, v12  }
0xf0: {  	v11 =	vadd.f32 v15, v14;
	v12 =	vadd.f32 v17, v16  }
0xf1: {  	v6 =	vshra.s32 v5, $0x1;
	v7 =	vmul.f32 $5.000000000e-01, v5;
	v13 =	vshra.s32 v4, $0x1  }
0xf2: {  	v14 =	vmul.f32 $5.000000000e-01, v4;
	v15 =	vshra.s32 v19, $0x1;
	v16 =	vmul.f32 $5.000000000e-01, v19  }
0xf3: {  	v17 =	vshra.s32 v9, $0x1;
	v20 =	vshra.s32 v8, $0x1;
	v21 =	vmul.f32 $5.000000000e-01, v8  }
0xf4: {  	v22 =	vmul.f32 $5.000000000e-01, v9;
	v23 =	vshra.s32 v10, $0x1;
	v24 =	vmul.f32 $5.000000000e-01, v10  }
0xf5: {  	v26 =	vshra.s32 v11, $0x1;
	v27 =	vmul.f32 $5.000000000e-01, v11;
	v28 =	vshra.s32 v12, $0x1;
	v25 =	vld [tilespmem:s21+$0x40]  }
0xf6: {  	v30 =	vsub.s32 $0x5F375A86, v6;
	v13 =	vsub.s32 $0x5F375A86, v13;
	v29 =	vmul.f32 $5.000000000e-01, v12;
	v18 =	vld.idx.msk [tilespmem:v18+s4+$0x0], $0xffff  }
0xf7: {  	v17 =	vsub.s32 $0x5F375A86, v17;
	v15 =	vsub.s32 $0x5F375A86, v15;
	v20 =	vsub.s32 $0x5F375A86, v20  }
0xf8: {  	v23 =	vsub.s32 $0x5F375A86, v23;
	v7 =	vmul.f32 v30, v7;
	v14 =	vmul.f32 v13, v14;
	v31 =	vld [tilespmem:s21+$0xFFFFFFD0]  }
0xf9: {  	v26 =	vsub.s32 $0x5F375A86, v26;
	v16 =	vmul.f32 v15, v16;
	v21 =	vmul.f32 v20, v21;
	v32 =	vld [tilespmem:s21+$0x50]  }
0xfa: {  	v22 =	vmul.f32 v17, v22;
	v24 =	vmul.f32 v23, v24;
	v28 =	vsub.s32 $0x5F375A86, v28;
	v33 =	vld [tilespmem:s21+$0xFFFFFFE0]  }
0xfb: {  	v27 =	vmul.f32 v26, v27;
	v29 =	vmul.f32 v28, v29;
	v34 =	vld [tilespmem:s21+$0x60]  }
0xfc: {  	v36 =	vmul.f32 v30, v7;
	v14 =	vmul.f32 v13, v14;
	v6 =	vand.u32 $0xFFFF0000, v18;
	v35 =	vld [tilespmem:s21+$0xFFFFFFF0]  }
0xfd: {  	v16 =	vmul.f32 v15, v16;
	v21 =	vmul.f32 v20, v21;
	v7 =	vshll.u32 v18, $0x10;
	v18 =	vld [tilespmem:s21+$0x70]  }
0xfe: {  	v22 =	vmul.f32 v17, v22;
	v24 =	vmul.f32 v23, v24;
	v36 =	vsub.f32 $1.500000000e+00, v36;
	v25 =	vld.idx.msk [tilespmem:v25+s4+$0x0], $0xffff  }
0xff: {  	v27 =	vmul.f32 v26, v27;
	v14 =	vsub.f32 $1.500000000e+00, v14;
	v16 =	vsub.f32 $1.500000000e+00, v16;
	v37 =	vld [tilespmem:s21+$0xFFFFFF80]  }
0x100: {  	v22 =	vsub.f32 $1.500000000e+00, v22;
	v29 =	vmul.f32 v28, v29;
	v21 =	vsub.f32 $1.500000000e+00, v21;
	v38 =	vld [tilespmem:s21+$0x0]  }
0x101: {  	v24 =	vsub.f32 $1.500000000e+00, v24;
	v30 =	vmul.f32 v30, v36;
	v13 =	vmul.f32 v13, v14;
	v39 =	vld [tilespmem:s21+$0xFFFFFF90]  }
0x102: {  	v27 =	vsub.f32 $1.500000000e+00, v27;
	v15 =	vmul.f32 v15, v16;
	v16 =	vmul.f32 v20, v21;
	v14 =	vld [tilespmem:s21+$0x10]  }
0x103: {  	v17 =	vmul.f32 v17, v22;
	v21 =	vmul.f32 v23, v24;
	v22 =	vsub.f32 $1.500000000e+00, v29;
	v20 =	vld [tilespmem:s21+$0xFFFFFFA0]  }
0x104: {  	v26 =	vmul.f32 v26, v27;
	v5 =	vmul.f32 v30, v5;
	v24 =	vand.u32 $0xFFFF0000, v25;
	v23 =	vld [tilespmem:s21+$0x20]  }
0x105: {  	v4 =	vmul.f32 v13, v4;
	v22 =	vmul.f32 v28, v22;
	v25 =	vshll.u32 v25, $0x10;
	v27 =	vld [tilespmem:s21+$0xFFFFFFB0]  }
0x106: {  	v9 =	vmul.f32 v17, v9;
	v15 =	vmul.f32 v15, v19;
	v5 =	vsub.f32 $0.0e+00, v5;
	v13 =	vld [tilespmem:s21+$0x30]  }
0x107: {  	v10 =	vmul.f32 v21, v10;
	v8 =	vmul.f32 v16, v8;
	v4 =	vsub.f32 $0.0e+00, v4;
	v17 =	vld.idx.msk [tilespmem:v31+s4+$0x0], $0xffff  }
0x108: {  	v11 =	vmul.f32 v26, v11;
	v9 =	vsub.f32 $0.0e+00, v9;
	v5 =	vmul.f32 $1.442695020e+00, v5;
	v16 =	vld.idx.msk [tilespmem:v32+s4+$0x0], $0xffff  }
0x109: {  	v10 =	vsub.f32 $0.0e+00, v10;
	v12 =	vmul.f32 v22, v12;
	v4 =	vmul.f32 $1.442695020e+00, v4;
	v19 =	vld.idx.msk [tilespmem:v33+s4+$0x0], $0xffff  }
0x10a: {  	v11 =	vsub.f32 $0.0e+00, v11;
	v9 =	vmul.f32 $1.442695020e+00, v9;
	v21 =	vld.idx.msk [tilespmem:v34+s4+$0x0], $0xffff;
	(erf) = vpow2.f32 v5  }
0x10b: {  	v10 =	vmul.f32 $1.442695020e+00, v10;
	v12 =	vsub.f32 $0.0e+00, v12;
	v5 =	vld.idx.msk [tilespmem:v35+s4+$0x0], $0xffff;
	(erf) = vpow2.f32 v4  }
0x10c: {  	v15 =	vsub.f32 $0.0e+00, v15;
	v11 =	vmul.f32 $1.442695020e+00, v11;
	v4 =	vld.idx.msk [tilespmem:v18+s4+$0x0], $0xffff;
	(erf) = vpow2.f32 v9  }
0x10d: {  	v8 =	vsub.f32 $0.0e+00, v8;
	v12 =	vmul.f32 $1.442695020e+00, v12;
	v9 =	vld.idx.msk [tilespmem:v37+s4+$0x0], $0xffff;
	(erf) = vpow2.f32 v10  }
0x10e: {  	v15 =	vmul.f32 $1.442695020e+00, v15;
	v18 =	vand.u32 $0xFFFF0000, v17;
	v10 =	vld.idx.msk [tilespmem:v38+s4+$0x0], $0xffff;
	(erf) = vpow2.f32 v11  }
0x10f: {  	v8 =	vmul.f32 $1.442695020e+00, v8;
	v17 =	vshll.u32 v17, $0x10;
	v11 =	vld.idx.msk [tilespmem:v39+s4+$0x0], $0xffff;
	(erf) = vpow2.f32 v12  }
0x110: {  	v12 =	vld.idx.msk [tilespmem:v14+s4+$0x0], $0xffff;
	v14 =	vand.u32 $0xFFFF0000, v16;
	v16 =	vshll.u32 v16, $0x10;
	(erf) = vpow2.f32 v15  }
0x111: {  	v15 =	vld.idx.msk [tilespmem:v20+s4+$0x0], $0xffff;
	v20 =	vand.u32 $0xFFFF0000, v19;
	v19 =	vshll.u32 v19, $0x10;
	(erf) = vpow2.f32 v8  }
0x112: {  	v22 =	vand.u32 $0xFFFF0000, v5;
	v8 =	vand.u32 $0xFFFF0000, v21;
	v21 =	vshll.u32 v21, $0x10  }
0x113: {  	v5 =	vshll.u32 v5, $0x10;
	v26 =	vand.u32 $0xFFFF0000, v4;
	v4 =	vshll.u32 v4, $0x10;
	v23 =	vld.idx.msk [tilespmem:v23+s4+$0x0], $0xffff;
	v28 =	vpop (erf)  }
0x114: {  	v29 =	vand.u32 $0xFFFF0000, v9;
	v9 =	vshll.u32 v9, $0x10;
	v30 =	vand.u32 $0xFFFF0000, v10;
	v31 =	vpop (erf)  }
0x115: {  	v10 =	vshll.u32 v10, $0x10;
	v32 =	vand.u32 $0xFFFF0000, v11;
	v11 =	vshll.u32 v11, $0x10;
	v27 =	vld.idx.msk [tilespmem:v27+s4+$0x0], $0xffff;
	v33 =	vpop (erf)  }
0x116: {  	v6 =	vsub.f32 v24, v6;
	v34 =	vand.u32 $0xFFFF0000, v12;
	v12 =	vshll.u32 v12, $0x10;
	v24 =	vpop (erf)  }
0x117: {  	v7 =	vsub.f32 v25, v7;
	v14 =	vsub.f32 v14, v18;
	v35 =	vand.u32 $0xFFFF0000, v15;
	v13 =	vld.idx.msk [tilespmem:v13+s4+$0x0], $0xffff;
	v18 =	vpop (erf)  }
0x118: {  	v15 =	vshll.u32 v15, $0x10;
	v0 =	vadd.f32 v33, v0;
	v2 =	vadd.f32 v24, v2;
	v24 =	vpop (erf)  }
0x119: {  	v25 =	vand.u32 $0xFFFF0000, v23;
	v1 =	vadd.f32 v18, v1;
	v3 =	vadd.f32 v24, v3;
	v18 =	vpop (erf)  }
0x11a: {  	v23 =	vshll.u32 v23, $0x10;
	v0 =	vadd.f32 v28, v0;
	v2 =	vadd.f32 v31, v2;
	v24 =	vpop (erf)  }
0x11b: {  	v28 =	vand.u32 $0xFFFF0000, v27;
	v1 =	vadd.f32 v18, v1;
	v3 =	vadd.f32 v24, v3  }
0x11c: {  	v16 =	vsub.f32 v16, v17;
	v8 =	vsub.f32 v8, v20;
	v18 =	vshll.u32 v27, $0x10  }
0x11d: {  	v19 =	vsub.f32 v21, v19;
	v20 =	vsub.f32 v26, v22;
	v17 =	vand.u32 $0xFFFF0000, v13  }
0x11e: {  	v4 =	vsub.f32 v4, v5;
	v21 =	vsub.f32 v30, v29;
	v22 =	vshll.u32 v13, $0x10  }
0x11f: {  	v26 =	vmul.f32 v7, v7;
	v5 =	vsub.f32 v10, v9;
	v24 =	vmul.f32 v6, v6  }
0x120: {  	s20 =	sadd.s32 $0x80, s20;
	v29 =	vmul.f32 v16, v16;
	v27 =	vmul.f32 v14, v14;
	v13 =	vsub.f32 v34, v32  }
0x121: {  	p1 =	slt.u32 s20, $0x1300;
	v7 =	vmul.f32 v19, v19;
	v14 =	vsub.f32 v12, v11;
	v6 =	vmul.f32 v8, v8  }
.Ltmp3:
0x122: {  	v9 =	vmul.f32 v4, v4;
	v16 =	vsub.f32 v25, v35;
	v8 =	vmul.f32 v20, v20;
	(pc) =	sbr.rel @p1 .LBB2_6-.Ltmp3, $4  }
0x123: {  	v10 =	vmul.f32 v21, v21;
	v4 =	vsub.f32 v23, v15;
	v11 =	vmul.f32 v5, v5  }
0x124: {  	v5 =	vsub.f32 v17, v28;
	v12 =	vmul.f32 v13, v13;
	v13 =	vmul.f32 v14, v14  }
0x125: {  	v15 =	vmul.f32 v4, v4;
	v17 =	vsub.f32 v22, v18;
	v14 =	vmul.f32 v16, v16  }
0x126: {  	s21 =	sadd.s32 $0x100, s21;
	v4 =	vadd.f32 v29, v27;
	v16 =	vmul.f32 v5, v5;
	v5 =	vadd.f32 v26, v24  }
0x127: {  	v6 =	vadd.f32 v7, v6  }
0x128: {  	v38 =	vadd.f32 v9, v8;
	v39 =	vadd.f32 v11, v10  }
0x129: {  	v17 =	vmul.f32 v17, v17;
	v40 =	vadd.f32 v13, v12;
	v41 =	vadd.f32 v15, v14  }
0x12a: {  	v43 =	vshra.s32 v5, $0x1;
	v44 =	vmul.f32 $5.000000000e-01, v5;
	v45 =	vshra.s32 v4, $0x1  }
0x12b: {  	v46 =	vmul.f32 $5.000000000e-01, v4;
	v42 =	vadd.f32 v17, v16;
	v47 =	vshra.s32 v6, $0x1  }
0x12c: {  	v48 =	vmul.f32 $5.000000000e-01, v6;
	v18 =	vshra.s32 v39, $0x1;
	v19 =	vshra.s32 v38, $0x1  }
0x12d: {  	v20 =	vmul.f32 $5.000000000e-01, v38;
	v21 =	vmul.f32 $5.000000000e-01, v39;
	v22 =	vshra.s32 v40, $0x1  }
0x12e: {  	v23 =	vmul.f32 $5.000000000e-01, v40;
	v24 =	vshra.s32 v41, $0x1;
	v25 =	vmul.f32 $5.000000000e-01, v41  }
0x12f: {  	v12 =	vsub.s32 $0x5F375A86, v43;
	v14 =	vsub.s32 $0x5F375A86, v45;
	v18 =	vsub.s32 $0x5F375A86, v18  }
0x130: {  	v16 =	vsub.s32 $0x5F375A86, v47;
	v19 =	vsub.s32 $0x5F375A86, v19;
	v13 =	vmul.f32 v12, v44  }
0x131: {  	v22 =	vsub.s32 $0x5F375A86, v22;
	v15 =	vmul.f32 v14, v46;
	v27 =	vmul.f32 $5.000000000e-01, v42  }
0x132: {  	v24 =	vsub.s32 $0x5F375A86, v24;
	v17 =	vmul.f32 v16, v48;
	v20 =	vmul.f32 v19, v20  }
0x133: {  	v26 =	vshra.s32 v42, $0x1;
	v21 =	vmul.f32 v18, v21;
	v23 =	vmul.f32 v22, v23  }
0x134: {  	v25 =	vmul.f32 v24, v25;
	v26 =	vsub.s32 $0x5F375A86, v26;
	v13 =	vmul.f32 v12, v13  }
0x135: {  	v15 =	vmul.f32 v14, v15;
	v27 =	vmul.f32 v26, v27  }
0x136: {  	v17 =	vmul.f32 v16, v17;
	v20 =	vmul.f32 v19, v20  }
0x137: {  	v21 =	vmul.f32 v18, v21;
	v23 =	vmul.f32 v22, v23;
	v13 =	vsub.f32 $1.500000000e+00, v13  }
0x138: {  	v25 =	vmul.f32 v24, v25;
	v15 =	vsub.f32 $1.500000000e+00, v15;
	v17 =	vsub.f32 $1.500000000e+00, v17  }
0x139: {  	v21 =	vsub.f32 $1.500000000e+00, v21;
	v27 =	vmul.f32 v26, v27;
	v20 =	vsub.f32 $1.500000000e+00, v20  }
0x13a: {  	v23 =	vsub.f32 $1.500000000e+00, v23;
	v12 =	vmul.f32 v12, v13;
	v49 =	vmul.f32 v14, v15  }
0x13b: {  	v50 =	vsub.f32 $1.500000000e+00, v25;
	v51 =	vmul.f32 v16, v17;
	v52 =	vmul.f32 v19, v20  }
0x13c: {  	v53 =	vmul.f32 v18, v21;
	v54 =	vmul.f32 v22, v23;
	v55 =	vsub.f32 $1.500000000e+00, v27  }
0x13d: {  	v14 =	vmul.f32 v24, v50;
	v5 =	vmul.f32 v12, v5  }
0x13e: {  	v4 =	vmul.f32 v49, v4;
	v56 =	vmul.f32 v26, v55  }
0x13f: {  	v8 =	vmul.f32 v53, v39;
	v6 =	vmul.f32 v51, v6;
	v5 =	vsub.f32 $0.0e+00, v5  }
0x140: {  	v9 =	vmul.f32 v54, v40;
	v7 =	vmul.f32 v52, v38;
	v4 =	vsub.f32 $0.0e+00, v4  }
0x141: {  	v10 =	vmul.f32 v14, v41;
	v8 =	vsub.f32 $0.0e+00, v8;
	v5 =	vmul.f32 $1.442695020e+00, v5  }
0x142: {  	v9 =	vsub.f32 $0.0e+00, v9;
	v11 =	vmul.f32 v56, v42;
	v4 =	vmul.f32 $1.442695020e+00, v4  }
0x143: {  	v10 =	vsub.f32 $0.0e+00, v10;
	v8 =	vmul.f32 $1.442695020e+00, v8;
	(erf) = vpow2.f32 v5  }
0x144: {  	v57 =	vsub.f32 $0.0e+00, v11;
	v5 =	vmul.f32 $1.442695020e+00, v9;
	(erf) = vpow2.f32 v4  }
0x145: {  	v6 =	vsub.f32 $0.0e+00, v6;
	v4 =	vmul.f32 $1.442695020e+00, v10;
	(erf) = vpow2.f32 v8  }
0x146: {  	v7 =	vsub.f32 $0.0e+00, v7;
	v58 =	vmul.f32 $1.442695020e+00, v57;
	(erf) = vpow2.f32 v5  }
0x147: {  	v5 =	vmul.f32 $1.442695020e+00, v6;
	(erf) = vpow2.f32 v4  }
0x148: {  	v4 =	vmul.f32 $1.442695020e+00, v7;
	(erf) = vpow2.f32 v58  }
0x149: {  	(erf) = vpow2.f32 v5  }
0x14a: {  	(erf) = vpow2.f32 v4;
	_ =	sdelay $0x1  }
0x14b: {  	v4 =	vpop (erf)  }
0x14c: {  	v5 =	vpop (erf)  }
0x14d: {  	v59 =	vpop (erf)  }
0x14e: {  	v60 =	vpop (erf);
	v0 =	vadd.f32 v59, v0  }
0x14f: {  	v61 =	vpop (erf)  }
0x150: {  	v2 =	vadd.f32 v60, v2;
	v62 =	vpop (erf)  }
0x151: {  	v1 =	vadd.f32 v61, v1;
	v6 =	vadd.f32 v62, v3;
	v63 =	vpop (erf)  }
0x152: {  	v3 =	vadd.f32 v4, v0;
	v2 =	vadd.f32 v5, v2;
	v0 =	vpop (erf)  }
0x153: {  	v1 =	vadd.f32 v63, v1;
	v0 =	vadd.f32 v0, v6  }
0x154: {  	p1 =	seq.s32 s19, $0x5  }
.Ltmp4:
0x155: {  	_ = 	snop;
	(pc) =	sbr.rel @!p1 .LBB2_3-.Ltmp4, $1  }
0x156: {  	_ =	sdelay $0x3  }
.Ltmp5:
0x157: {  	(pc) =	sbr.rel @p0 .LBB2_10-.Ltmp5, $1  }
0x158: {  	_ =	sdelay $0x3  }
0x159: {  	[tilespmem:s11], [sflag:$0x4] =	stream.linear.gather [hbm4b:s8+s4], $0x100, $0x38;
	[tilespmem:$0x11200] =	vst v63  }
0x15a: {  	_ =	swait.ge [sflag:s16], $0x100  }
0x15b: {  	[sflag:s16] =	ssyncset.done $0x0  }
0x15c: {  	[sflag:s16] =	ssyncadd.s32 $0xFFFFFF00  }
0x15d: {  	v4 =	vld [tilespmem:$0xC380]  }
0x15e: {  	v5 =	vld [tilespmem:$0xC400]  }
0x15f: {  	v6 =	vld [tilespmem:$0xC390]  }
0x160: {  	v7 =	vld [tilespmem:$0xC410]  }
0x161: {  	v8 =	vld [tilespmem:$0xC3A0]  }
0x162: {  	v25 =	vld [tilespmem:$0xC420]  }
0x163: {  	v30 =	vld [tilespmem:$0xC3B0]  }
0x164: {  	v13 =	vld [tilespmem:$0xC430]  }
0x165: {  	v15 =	vld [tilespmem:$0xC3C0]  }
0x166: {  	v17 =	vld [tilespmem:$0xC440]  }
0x167: {  	v39 =	vld [tilespmem:$0xC3D0]  }
0x168: {  	v47 =	vld [tilespmem:$0xC3E0]  }
0x169: {  	v20 =	vld [tilespmem:$0xC470]  }
0x16a: {  	v4 =	vld.idx.msk [tilespmem:v4+s4+$0x0], $0xffff  }
0x16b: {  	v5 =	vld.idx.msk [tilespmem:v5+s4+$0x0], $0xffff  }
0x16c: {  	v6 =	vld.idx.msk [tilespmem:v6+s4+$0x0], $0xffff  }
0x16d: {  	v7 =	vld.idx.msk [tilespmem:v7+s4+$0x0], $0xffff  }
0x16e: {  	v29 =	vld.idx.msk [tilespmem:v8+s4+$0x0], $0xffff  }
0x16f: {  	v33 =	vld.idx.msk [tilespmem:v25+s4+$0x0], $0xffff  }
0x170: {  	v8 =	vld.idx.msk [tilespmem:v30+s4+$0x0], $0xffff  }
0x171: {  	v41 =	vld.idx.msk [tilespmem:v13+s4+$0x0], $0xffff  }
0x172: {  	v44 =	vld.idx.msk [tilespmem:v15+s4+$0x0], $0xffff;
	v9 =	vand.u32 $0xFFFF0000, v4;
	v10 =	vand.u32 $0xFFFF0000, v5  }
0x173: {  	v45 =	vld.idx.msk [tilespmem:v17+s4+$0x0], $0xffff;
	v4 =	vshll.u32 v4, $0x10;
	v5 =	vshll.u32 v5, $0x10;
	v27 =	vand.u32 $0xFFFF0000, v6  }
0x174: {  	v49 =	vld.idx.msk [tilespmem:v39+s4+$0x0], $0xffff;
	v6 =	vshll.u32 v6, $0x10;
	v11 =	vand.u32 $0xFFFF0000, v7;
	v7 =	vshll.u32 v7, $0x10  }
0x175: {  	v18 =	vld [tilespmem:$0xC460];
	v14 =	vand.u32 $0xFFFF0000, v29;
	v16 =	vand.u32 $0xFFFF0000, v33;
	v46 =	vand.u32 $0xFFFF0000, v8  }
0x176: {  	v57 =	vld.idx.msk [tilespmem:v47+s4+$0x0], $0xffff;
	v8 =	vshll.u32 v8, $0x10;
	v9 =	vsub.f32 v10, v9;
	v4 =	vsub.f32 v5, v4  }
0x177: {  	v52 =	vld [tilespmem:$0xC3F0];
	v48 =	vand.u32 $0xFFFF0000, v41;
	v51 =	vand.u32 $0xFFFF0000, v44;
	v6 =	vsub.f32 v7, v6  }
0x178: {  	v26 =	vmul.f32 v9, v9;
	v4 =	vmul.f32 v4, v4;
	v9 =	vsub.f32 v11, v27  }
0x179: {  	v19 =	vand.u32 $0xFFFF0000, v45;
	v13 =	vshll.u32 v45, $0x10;
	v56 =	vand.u32 $0xFFFF0000, v49  }
0x17a: {  	v6 =	vmul.f32 v6, v6;
	v4 =	vadd.f32 v4, v26;
	v28 =	vmul.f32 v9, v9  }
0x17b: {  	v25 =	vand.u32 $0xFFFF0000, v57;
	v7 =	vshll.u32 v29, $0x10;
	v14 =	vsub.f32 v16, v14  }
0x17c: {  	v24 =	vld.idx.msk [tilespmem:v20+s4+$0x0], $0xffff;
	v15 =	vsub.f32 v48, v46;
	v31 =	vshra.s32 v4, $0x1;
	v5 =	vadd.f32 v6, v28  }
0x17d: {  	v59 =	vld.idx.msk [tilespmem:v18+s4+$0x0], $0xffff;
	v32 =	vmul.f32 $5.000000000e-01, v4;
	v6 =	vshll.u32 v33, $0x10;
	v9 =	vsub.s32 $0x5F375A86, v31  }
0x17e: {  	v40 =	vld [tilespmem:$0xC450];
	v6 =	vsub.f32 v6, v7;
	v35 =	vshra.s32 v5, $0x1;
	v12 =	vmul.f32 $5.000000000e-01, v5  }
0x17f: {  	v21 =	vld.idx.msk [tilespmem:v52+s4+$0x0], $0xffff;
	v38 =	vmul.f32 v14, v14;
	v34 =	vmul.f32 v9, v32;
	v11 =	vsub.s32 $0x5F375A86, v35  }
0x180: {  	v53 =	vsub.f32 v19, v51;
	v6 =	vmul.f32 v6, v6;
	v12 =	vmul.f32 v11, v12  }
0x181: {  	v29 =	vand.u32 $0xFFFF0000, v24;
	v50 =	vmul.f32 v15, v15;
	v10 =	vmul.f32 v9, v34  }
0x182: {  	v15 =	vshll.u32 v59, $0x10;
	v6 =	vadd.f32 v6, v38;
	v12 =	vmul.f32 v11, v12  }
0x183: {  	v14 =	vshll.u32 v24, $0x10;
	v26 =	vand.u32 $0xFFFF0000, v59;
	v36 =	vsub.f32 $1.500000000e+00, v10  }
0x184: {  	v28 =	vand.u32 $0xFFFF0000, v21;
	v42 =	vshra.s32 v6, $0x1;
	v37 =	vsub.f32 $1.500000000e+00, v12  }
0x185: {  	v43 =	vmul.f32 $5.000000000e-01, v6;
	v7 =	vmul.f32 v9, v36;
	v12 =	vshll.u32 v44, $0x10  }
0x186: {  	v9 =	vld.idx.msk [tilespmem:v40+s4+$0x0], $0xffff;
	v12 =	vsub.f32 v13, v12;
	v13 =	vshll.u32 v57, $0x10;
	v10 =	vmul.f32 v11, v37  }
0x187: {  	v4 =	vmul.f32 v7, v4;
	v11 =	vshll.u32 v41, $0x10;
	v13 =	vsub.f32 v15, v13  }
0x188: {  	v7 =	vsub.s32 $0x5F375A86, v42;
	v15 =	vsub.f32 v29, v28;
	v8 =	vsub.f32 v11, v8  }
0x189: {  	v55 =	vmul.f32 v12, v12;
	v11 =	vshll.u32 v49, $0x10;
	v5 =	vmul.f32 v10, v5  }
0x18a: {  	v4 =	vsub.f32 $0.0e+00, v4;
	v10 =	vmul.f32 v7, v43;
	v13 =	vmul.f32 v13, v13  }
0x18b: {  	v32 =	vmul.f32 v15, v15;
	v8 =	vmul.f32 v8, v8;
	v58 =	vand.u32 $0xFFFF0000, v9  }
0x18c: {  	v9 =	vshll.u32 v9, $0x10;
	v5 =	vsub.f32 $0.0e+00, v5;
	v4 =	vmul.f32 $1.442695020e+00, v4  }
0x18d: {  	v10 =	vmul.f32 v7, v10;
	v60 =	vsub.f32 v58, v56;
	v9 =	vsub.f32 v9, v11  }
0x18e: {  	v11 =	vshll.u32 v21, $0x10;
	v8 =	vadd.f32 v8, v50;
	v5 =	vmul.f32 $1.442695020e+00, v5  }
0x18f: {  	(erf) = vpow2.f32 v4;
	v54 =	vsub.f32 $1.500000000e+00, v10;
	v4 =	vmul.f32 v53, v53  }
0x190: {  	v11 =	vsub.f32 v14, v11;
	v9 =	vmul.f32 v9, v9;
	(erf) = vpow2.f32 v5  }
0x191: {  	v61 =	vshra.s32 v8, $0x1;
	v5 =	vmul.f32 v7, v54;
	v7 =	vmul.f32 v60, v60  }
0x192: {  	v62 =	vmul.f32 $5.000000000e-01, v8;
	v11 =	vmul.f32 v11, v11;
	v4 =	vadd.f32 v55, v4  }
0x193: {  	v63 =	vsub.s32 $0x5F375A86, v61;
	v7 =	vadd.f32 v9, v7;
	v9 =	vsub.f32 v26, v25  }
0x194: {  	v22 =	vmul.f32 v63, v62;
	v11 =	vadd.f32 v11, v32;
	v5 =	vmul.f32 v5, v6  }
0x195: {  	v23 =	vshra.s32 v4, $0x1;
	v30 =	vmul.f32 $5.000000000e-01, v4;
	v9 =	vmul.f32 v9, v9  }
0x196: {  	v6 =	vmul.f32 v63, v22;
	v12 =	vsub.s32 $0x5F375A86, v23;
	v39 =	vshra.s32 v11, $0x1  }
0x197: {  	v27 =	vshra.s32 v7, $0x1;
	v31 =	vmul.f32 $5.000000000e-01, v7;
	v9 =	vadd.f32 v13, v9  }
0x198: {  	v40 =	vmul.f32 $5.000000000e-01, v11;
	v14 =	vmul.f32 v12, v30;
	v16 =	vsub.s32 $0x5F375A86, v27  }
0x199: {  	v33 =	vmul.f32 v16, v31;
	v34 =	vshra.s32 v9, $0x1;
	v35 =	vmul.f32 $5.000000000e-01, v9  }
0x19a: {  	v42 =	vsub.s32 $0x5F375A86, v39;
	v36 =	vmul.f32 v12, v14;
	v38 =	vsub.s32 $0x5F375A86, v34  }
0x19b: {  	v6 =	vsub.f32 $1.500000000e+00, v6;
	v37 =	vmul.f32 v16, v33;
	v17 =	vmul.f32 v38, v35  }
0x19c: {  	v18 =	vmul.f32 v42, v40;
	v41 =	vsub.f32 $1.500000000e+00, v36  }
0x19d: {  	v6 =	vmul.f32 v63, v6;
	v14 =	vsub.f32 $1.500000000e+00, v37;
	v17 =	vmul.f32 v38, v17  }
0x19e: {  	v5 =	vsub.f32 $0.0e+00, v5;
	v46 =	vmul.f32 v42, v18;
	v43 =	vmul.f32 v12, v41  }
0x19f: {  	v6 =	vmul.f32 v6, v8;
	v44 =	vmul.f32 v16, v14;
	v45 =	vsub.f32 $1.500000000e+00, v17  }
0x1a0: {  	v5 =	vmul.f32 $1.442695020e+00, v5;
	v48 =	vsub.f32 $1.500000000e+00, v46;
	v4 =	vmul.f32 v43, v4  }
0x1a1: {  	v6 =	vsub.f32 $0.0e+00, v6;
	v7 =	vmul.f32 v44, v7;
	v47 =	vmul.f32 v38, v45  }
0x1a2: {  	(erf) = vpow2.f32 v5;
	v51 =	vmul.f32 v42, v48;
	v4 =	vsub.f32 $0.0e+00, v4  }
0x1a3: {  	v49 =	vmul.f32 $1.442695020e+00, v6;
	v7 =	vsub.f32 $0.0e+00, v7;
	v50 =	vmul.f32 v47, v9  }
0x1a4: {  	v53 =	vmul.f32 v51, v11;
	v4 =	vmul.f32 $1.442695020e+00, v4  }
0x1a5: {  	(erf) = vpow2.f32 v49;
	v52 =	vmul.f32 $1.442695020e+00, v7;
	v6 =	vsub.f32 $0.0e+00, v50  }
0x1a6: {  	(erf) = vpow2.f32 v4  }
0x1a7: {  	v55 =	vsub.f32 $0.0e+00, v53;
	(erf) = vpow2.f32 v52;
	v54 =	vmul.f32 $1.442695020e+00, v6;
	_ =	sdelay $0x1  }
0x1a8: {  	v56 =	vmul.f32 $1.442695020e+00, v55;
	(erf) = vpow2.f32 v54;
	_ =	sdelay $0x1  }
0x1a9: {  	v57 =	vpop (erf);
	(erf) = vpow2.f32 v56  }
0x1aa: {  	v58 =	vpop (erf)  }
0x1ab: {  	v59 =	vpop (erf)  }
0x1ac: {  	v3 =	vadd.f32 v57, v3;
	v60 =	vpop (erf)  }
0x1ad: {  	v2 =	vadd.f32 v58, v2;
	v61 =	vpop (erf)  }
0x1ae: {  	v3 =	vadd.f32 v61, v3;
	v62 =	vpop (erf)  }
0x1af: {  	v1 =	vadd.f32 v59, v1;
	v2 =	vadd.f32 v62, v2  }
0x1b0: {  	v0 =	vadd.f32 v60, v0;
	v63 =	vpop (erf)  }
.Ltmp6:
0x1b1: {  	v2 =	vadd.f32 v2, v3;
	v1 =	vadd.f32 v63, v1;
	(pc) =	sbr.rel .LBB2_11-.Ltmp6, $3  }
0x1b2: {  	v3 =	vpop (erf)  }
0x1b3: {  	v0 =	vadd.f32 v3, v0;
	v1 =	vadd.f32 v1, v2;
	_ =	sdelay $0x1  }
0x1b4: {  	v0 =	vadd.f32 v0, v1  }
.LBB2_12:
0x1b5: {  	_ =	sfence.sel $0x180000  }
0x1b6: {  	[bflag:$0x0] =	sbarrier.arrive $0xFFFF  }
0x1b7: {  	p0 =	sne.s32 s1, $0x0;
	_ =	strace $0x90000047  }
0x1b8: {  	s0 =	sadd.s32 @!p0 $0x100000, s0;
	[bflag:$0x2] =	sbarrier.arrive $0xFFFF  }
0x1b9: {  	[sflag:s0] =	ssyncadd.tile.s32 @!p0 $0x1;
	_ =	shalt  }
.Lfunc_end2:
_tile_overlayer_lowered:
.L_overlay_start_2:
0x1ba: {  	(tag) =	ssettag $0x2  }
0x1bb: {  	s0 =	rddreg [dreg:$0x0];
	s2 =	stileid.u32  }
0x1bc: {  	s1 =	rddreg [dreg:$0x1];
	p0 =	sne.s32 s2, $0x0  }
0x1bd: {  	s3 =	rddreg [dreg:$0x2];
	[bflag:$0x3] =	sbarrier.arrive $0xFFFF;
	s2 =	simm.s32 @!p0 $0x1C04  }
0x1be: {  	[timem:s3], [sflag:s2] =	dma.local @!p0 [hbm:s0], s1  }
0x1bf: {  	s0 =	simm.s32 @!p0 $0x4  }
0x1c0: {  	_ =	swait.ge @!p0 [sflag:s0], s1  }
0x1c1: {  	s1 =	ssub.s32 @!p0 $0x0, s1;
	[sflag:s0] =	ssyncset.done @!p0 $0x0  }
0x1c2: {  	[sflag:s0] =	ssyncadd.s32 @!p0 s1  }
0x1c3: {  	[bflag:$0x3] =	sbarrier.arrive $0xFFFF  }
0x1c4: {  	_ =	shalt  }

</sc_bundles>
